<compile_context>
chip_gen: v7x
topology: tpu7x:2x2x1
jax: 0.10.2.dev20260603
libtpu: 0.0.44.dev20260713+nightly
codegen_flags: <defaults>
</compile_context>

<pallas_src>
import functools

import jax
import jax.numpy as jnp
from jax import lax
from jax.experimental import pallas as pl
from jax.experimental.pallas import tpu as pltpu
from jax.experimental.pallas import tpu_sc as plsc

N = 10000
D = 128
E = 320000
B = 4096
NC, NS = 2, 16
NW = NC * NS
CW = 128
KCH = 80
HK = 40
DW = 16
EPT = KCH * CW
EPAD = NW * EPT
NTRASH = 240
NROWS = N + NTRASH
ROWS_T = NROWS // NS
XR = 624
BPT = B // NW

_mesh = plsc.VectorSubcoreMesh(
    core_axis_name="c", subcore_axis_name="s", num_cores=NC, num_subcores=NS)


def _deg_body(dst3, z, ones, degp, didx, onesv, shared, sem):
    cid = lax.axis_index("c")
    sid = lax.axis_index("s")
    wid = cid * NS + sid
    pltpu.sync_copy(z.at[pl.ds(sid * ROWS_T, ROWS_T)],
                    shared.at[pl.ds(sid * ROWS_T, ROWS_T)])
    pltpu.sync_copy(dst3.at[wid], didx)
    pltpu.sync_copy(ones, onesv)
    plsc.subcore_barrier()

    F = 8
    for j in range(F):
        pltpu.async_copy(onesv, shared.at[didx.at[j]], sem, add=True)

    def step(k, _):
        pltpu.make_async_copy(onesv, shared.at[didx.at[0]], sem).wait()
        pltpu.async_copy(onesv, shared.at[didx.at[k + F]], sem, add=True)
        return _
    lax.fori_loop(0, KCH - F, step, None)
    for j in range(F):
        pltpu.make_async_copy(onesv, shared.at[didx.at[j]], sem).wait()
    plsc.subcore_barrier()
    pltpu.sync_copy(shared.at[pl.ds(sid * ROWS_T, ROWS_T)],
                    degp.at[cid, pl.ds(sid * ROWS_T, ROWS_T)])


_deg_kernel = functools.partial(
    pl.kernel,
    out_type=jax.ShapeDtypeStruct((NC, NROWS, DW), jnp.float32),
    mesh=_mesh,
    scratch_types=[
        pltpu.VMEM((KCH, CW), jnp.int32),
        pltpu.VMEM((CW, DW), jnp.float32),
        pltpu.VMEM_SHARED((NROWS, DW), jnp.float32),
        pltpu.SemaphoreType.DMA,
    ],
    compiler_params=pltpu.CompilerParams(use_tc_tiling_on_sc=False),
)(_deg_body)


def _scale_body(degp_ref, x_ref, w_ref, y_ref, c1_ref):
    deg = degp_ref[0, :N, 0:1] + degp_ref[1, :N, 0:1]
    c = lax.rsqrt(jnp.maximum(deg, 1.0))
    xw = jnp.dot(x_ref[...], w_ref[...], preferred_element_type=jnp.float32,
                 precision=lax.Precision.HIGHEST)
    y_ref[...] = (c * xw).astype(jnp.bfloat16)
    c1_ref[...] = c[:, 0]


def _agg_body(y, x, src3, dst3, z, p0, p1,
              sidx, didx, rb0, rb1, rb2, rb3, shared,
              gs0, gs1, gs2, gs3, ss0, ss1, ss2, ss3):
    rb = (rb0, rb1, rb2, rb3)
    gs = (gs0, gs1, gs2, gs3)
    ss = (ss0, ss1, ss2, ss3)
    cid = lax.axis_index("c")
    sid = lax.axis_index("s")
    wid = cid * NS + sid

    @pl.when(cid == 0)
    def _():
        pltpu.sync_copy(x.at[pl.ds(sid * XR, XR)],
                        shared.at[pl.ds(sid * XR, XR)])

    @pl.when((cid == 0) & (sid == 0))
    def _():
        pltpu.sync_copy(x.at[pl.ds(NS * XR, N - NS * XR)],
                        shared.at[pl.ds(NS * XR, N - NS * XR)])

    @pl.when(cid == 1)
    def _():
        pltpu.sync_copy(z.at[pl.ds(sid * ROWS_T, ROWS_T)],
                        shared.at[pl.ds(sid * ROWS_T, ROWS_T)])

    plsc.subcore_barrier()

    for h in range(KCH // HK):
        pltpu.sync_copy(src3.at[wid, pl.ds(h * HK, HK)], sidx)
        pltpu.sync_copy(dst3.at[wid, pl.ds(h * HK, HK)], didx)
        for j in range(4):
            pltpu.async_copy(y.at[sidx.at[j]], rb[j], gs[j])

        def step(g, _):
            for j in range(4):
                k = 4 * g + j
                pltpu.make_async_copy(y.at[sidx.at[k]], rb[j], gs[j]).wait()
                pltpu.async_copy(rb[j], shared.at[didx.at[k]], ss[j], add=True)
            for j in range(4):
                knext = jnp.minimum(4 * g + 4 + j, HK - 1)
                pltpu.make_async_copy(rb[j], shared.at[didx.at[0]], ss[j]).wait()
                pltpu.async_copy(y.at[sidx.at[knext]], rb[j], gs[j])
            return _
        lax.fori_loop(0, HK // 4, step, None)
        for j in range(4):
            pltpu.make_async_copy(y.at[sidx.at[HK - 1]], rb[j], gs[j]).wait()
    plsc.subcore_barrier()

    @pl.when(cid == 0)
    def _():
        pltpu.sync_copy(shared.at[pl.ds(sid * ROWS_T, ROWS_T)],
                        p0.at[pl.ds(sid * ROWS_T, ROWS_T)])

    @pl.when(cid == 1)
    def _():
        pltpu.sync_copy(shared.at[pl.ds(sid * ROWS_T, ROWS_T)],
                        p1.at[pl.ds(sid * ROWS_T, ROWS_T)])


_agg_kernel = functools.partial(
    pl.kernel,
    out_type=(jax.ShapeDtypeStruct((NROWS, D), jnp.bfloat16),
              jax.ShapeDtypeStruct((NROWS, D), jnp.bfloat16)),
    mesh=_mesh,
    scratch_types=[
        pltpu.VMEM((HK, CW), jnp.int32),
        pltpu.VMEM((HK, CW), jnp.int32),
        pltpu.VMEM((CW, D), jnp.bfloat16),
        pltpu.VMEM((CW, D), jnp.bfloat16),
        pltpu.VMEM((CW, D), jnp.bfloat16),
        pltpu.VMEM((CW, D), jnp.bfloat16),
        pltpu.VMEM_SHARED((NROWS, D), jnp.bfloat16),
        pltpu.SemaphoreType.DMA,
        pltpu.SemaphoreType.DMA,
        pltpu.SemaphoreType.DMA,
        pltpu.SemaphoreType.DMA,
        pltpu.SemaphoreType.DMA,
        pltpu.SemaphoreType.DMA,
        pltpu.SemaphoreType.DMA,
        pltpu.SemaphoreType.DMA,
    ],
    compiler_params=pltpu.CompilerParams(use_tc_tiling_on_sc=False),
)(_agg_body)


def _gather_body(h, bn, out, bidx, brows, sem):
    cid = lax.axis_index("c")
    sid = lax.axis_index("s")
    wid = cid * NS + sid
    base = wid * BPT
    pltpu.sync_copy(bn.at[pl.ds(base, BPT)], bidx)
    pltpu.async_copy(h.at[bidx], brows, sem).wait()
    pltpu.sync_copy(brows, out.at[pl.ds(base, BPT)])


_gather_kernel = functools.partial(
    pl.kernel,
    out_type=jax.ShapeDtypeStruct((B, D), jnp.float32),
    mesh=_mesh,
    scratch_types=[
        pltpu.VMEM((BPT,), jnp.int32),
        pltpu.VMEM((BPT, D), jnp.float32),
        pltpu.SemaphoreType.DMA,
    ],
)(_gather_body)


def _final_body(p0_ref, p1_ref, c1_ref, h_ref):
    s = p0_ref[:N].astype(jnp.float32) + p1_ref[:N].astype(jnp.float32)
    h_ref[...] = jnp.maximum(c1_ref[...][:, None] * s, 0.0)


def kernel(node_features, edge_index, batch_nodes, weight):
    src = edge_index[0]
    dst = edge_index[1]
    pad = EPAD - E
    ar = jnp.arange(pad, dtype=jnp.int32)
    src_p = jnp.concatenate([src, (ar * 13) % N]).reshape(NW, KCH, CW)
    dst_p = jnp.concatenate([dst, N + (ar % NTRASH)]).reshape(NW, KCH, CW)
    ones = jnp.ones((CW, DW), jnp.float32)
    z16 = jnp.zeros((NROWS, DW), jnp.float32)
    z = jnp.zeros((NROWS, D), jnp.bfloat16)

    degp = _deg_kernel(dst_p, z16, ones)

    y, c1 = pl.pallas_call(
        _scale_body,
        out_shape=(jax.ShapeDtypeStruct((N, D), jnp.bfloat16),
                   jax.ShapeDtypeStruct((N,), jnp.float32)),
    )(degp, node_features, weight)

    xb = node_features.astype(jnp.bfloat16)
    p0, p1 = _agg_kernel(y, xb, src_p, dst_p, z)

    h = pl.pallas_call(
        _final_body,
        out_shape=jax.ShapeDtypeStruct((N, D), jnp.float32),
    )(p0, p1, c1)

    return _gather_kernel(h, batch_nodes)

# --- scband reference (transcript-rebuilt; emitter-appended) ---
"""Pipeline reference for scband-hgcnlayer-18133351924025 (READ-ONLY COPY).

The authoritative reference and input builder live on the scoring server;
editing this copy changes nothing except your own understanding.
"""

import jax, jax.numpy as jnp
import numpy as np

N_NODES = 10000
N_EDGES = 320000
D_FEAT = 128
N_BATCH = 4096


def setup_inputs(seed: int = 0) -> dict:
    key = jax.random.key(seed)
    k1, k2, k3, k4 = jax.random.split(key, 4)
    node_features = jax.random.normal(k1, (N_NODES, D_FEAT), dtype=jnp.float32)
    edge_index = jax.random.randint(k2, (2, N_EDGES), 0, N_NODES, dtype=jnp.int32)
    batch_nodes = jax.random.randint(k3, (N_BATCH,), 0, N_NODES, dtype=jnp.int32)
    # xavier_uniform for weight [in_feat_dim, out_feat_dim]
    a = float(np.sqrt(6.0 / (D_FEAT + D_FEAT)))
    weight = jax.random.uniform(k4, (D_FEAT, D_FEAT), minval=-a, maxval=a, dtype=jnp.float32)
    return {"node_features": node_features, "edge_index": edge_index, "batch_nodes": batch_nodes, "weight": weight}


def reference(node_features, edge_index, batch_nodes, weight):
    # Vectorized equivalent of the per-node DGL subgraph loop:
    # for each edge (src, dst): msg = (1/sqrt(deg_src*deg_dst)) * (x_src @ W)
    # h_neigh[dst] = sum of msgs; h_new = relu(h_neigh + (1/sqrt(deg)) * x)
    # output gathered at batch_nodes.
    n = node_features.shape[0]
    src = edge_index[0]
    dst = edge_index[1]
    # in-degrees, clamp(min=1) as in the original
    deg = jnp.zeros((n,), dtype=jnp.float32).at[dst].add(1.0)
    deg = jnp.clip(deg, 1.0, None)
    c_i = 1.0 / jnp.sqrt(deg)
    xW = node_features @ weight
    deg_src = deg[src]
    deg_dst = deg[dst]
    c_ij = jnp.where((deg_src == 0) | (deg_dst == 0), 0.0, 1.0 / jnp.sqrt(deg_src * deg_dst))
    msg = c_ij[:, None] * xW[src]
    h_neigh = jnp.zeros((n, xW.shape[1]), dtype=jnp.float32).at[dst].add(msg)
    h_new = jax.nn.relu(h_neigh + c_i[:, None] * node_features)
    return h_new[batch_nodes]

if __name__ == "__main__":
    import jax
    _d = setup_inputs()
    print(jax.jit(kernel)(*tuple(_d.values())))

</pallas_src>

<mosaic_0001>
#map = affine_map<(d0, d1) -> (0, 0, 0)>
#map1 = affine_map<(d0, d1) -> (0, 0)>
module attributes {stable_mosaic.version = 14 : i64} {
  func.func @_deg_body(%arg0: i32, %arg1: i32, %arg2: memref<32x80x128xi32, #tpu.memory_space<hbm>>, %arg3: memref<10240x16xf32, #tpu.memory_space<hbm>>, %arg4: memref<128x16xf32, #tpu.memory_space<hbm>>, %arg5: memref<2x10240x16xf32, #tpu.memory_space<hbm>>, %arg6: memref<80x128xi32, #tpu.memory_space<vmem>>, %arg7: memref<128x16xf32, #tpu.memory_space<vmem>>, %arg8: memref<10240x16xf32, #tpu.memory_space<vmem_shared>>, %arg9: memref<!tpu.dma_semaphore, #tpu.memory_space<semaphore_mem>>) attributes {dimension_semantics = [#tpu.dimension_semantics<core_parallel>, #tpu.dimension_semantics<subcore_parallel>], iteration_bounds = array<i64: 2, 16>, scalar_prefetch = 0 : i64, scratch_operands = 4 : i64, tpu.core_type = #tpu.core_type<sc_vector_subcore>, window_params = [{transform_indices = #map}, {transform_indices = #map1}, {transform_indices = #map1}, {transform_indices = #map}]} {
    %mul3A = arith.constant 16 : i32
    %mul3A_0 = arith.muli %arg0, %mul3A : i32
    %add3A = arith.addi %mul3A_0, %arg1 : i32
    %mul3A_1 = arith.constant 640 : i32
    %mul3A_2 = arith.muli %arg1, %mul3A_1 : i32
    %mul3A_3 = arith.constant 640 : i32
    %mul3A_4 = arith.muli %arg1, %mul3A_3 : i32
    "tpu.region"() ({
      %run_scoped3A = tpu.sem_alloc : memref<!tpu.dma_semaphore, #tpu.memory_space<semaphore_mem>>
      %dma_start3A_124 = arith.constant 0 : i32
      %dma_start3A_125 = tpu.memref_slice %arg8[%mul3A_4, %dma_start3A_124] : memref<10240x16xf32, #tpu.memory_space<vmem_shared>> -> memref<640x16xf32, #tpu.memory_space<vmem_shared>>
      %dma_start3A_126 = arith.constant 0 : i32
      %dma_start3A_127 = tpu.memref_slice %arg3[%mul3A_2, %dma_start3A_126] : memref<10240x16xf32, #tpu.memory_space<hbm>> -> memref<640x16xf32, #tpu.memory_space<hbm>>
      tpu.enqueue_dma source(%dma_start3A_127 : memref<640x16xf32, #tpu.memory_space<hbm>>) target(%dma_start3A_125 : memref<640x16xf32, #tpu.memory_space<vmem_shared>>) target_semaphore(%run_scoped3A : memref<!tpu.dma_semaphore, #tpu.memory_space<semaphore_mem>>)
      %dma_wait3A_128 = arith.constant 0 : i32
      %dma_wait3A_129 = tpu.memref_slice %arg8[%mul3A_4, %dma_wait3A_128] : memref<10240x16xf32, #tpu.memory_space<vmem_shared>> -> memref<640x16xf32, #tpu.memory_space<vmem_shared>>
      %dma_wait3A_130 = arith.constant 0 : i32
      %dma_wait3A_131 = tpu.memref_slice %arg3[%mul3A_2, %dma_wait3A_130] : memref<10240x16xf32, #tpu.memory_space<hbm>> -> memref<640x16xf32, #tpu.memory_space<hbm>>
      tpu.wait_dma2 semaphore(%run_scoped3A : memref<!tpu.dma_semaphore, #tpu.memory_space<semaphore_mem>>) src(%dma_wait3A_131 : memref<640x16xf32, #tpu.memory_space<hbm>>) dst(%dma_wait3A_129 : memref<640x16xf32, #tpu.memory_space<vmem_shared>>)
      tpu.yield
    }) : () -> ()
    "tpu.region"() ({
      %run_scoped3A = tpu.sem_alloc : memref<!tpu.dma_semaphore, #tpu.memory_space<semaphore_mem>>
      %dma_start3A_124 = arith.constant 0 : i32
      %dma_start3A_125 = arith.constant 0 : i32
      %dma_start3A_126 = tpu.memref_slice %arg2[%add3A, %dma_start3A_124, %dma_start3A_125] : memref<32x80x128xi32, #tpu.memory_space<hbm>> -> memref<1x80x128xi32, #tpu.memory_space<hbm>>
      %dma_start3A_127 = tpu.memref_squeeze %dma_start3A_126 : memref<1x80x128xi32, #tpu.memory_space<hbm>> -> memref<80x128xi32, #tpu.memory_space<hbm>>
      %dma_start3A_128 = arith.constant 0 : i32
      %dma_start3A_129 = arith.constant 0 : i32
      %dma_start3A_130 = tpu.memref_slice %arg2[%add3A, %dma_start3A_128, %dma_start3A_129] : memref<32x80x128xi32, #tpu.memory_space<hbm>> -> memref<1x80x128xi32, #tpu.memory_space<hbm>>
      %dma_start3A_131 = tpu.memref_squeeze %dma_start3A_130 : memref<1x80x128xi32, #tpu.memory_space<hbm>> -> memref<80x128xi32, #tpu.memory_space<hbm>>
      tpu.enqueue_dma source(%dma_start3A_131 : memref<80x128xi32, #tpu.memory_space<hbm>>) target(%arg6 : memref<80x128xi32, #tpu.memory_space<vmem>>) target_semaphore(%run_scoped3A : memref<!tpu.dma_semaphore, #tpu.memory_space<semaphore_mem>>)
      %dma_wait3A_132 = arith.constant 0 : i32
      %dma_wait3A_133 = arith.constant 0 : i32
      %dma_wait3A_134 = tpu.memref_slice %arg2[%add3A, %dma_wait3A_132, %dma_wait3A_133] : memref<32x80x128xi32, #tpu.memory_space<hbm>> -> memref<1x80x128xi32, #tpu.memory_space<hbm>>
      %dma_wait3A_135 = tpu.memref_squeeze %dma_wait3A_134 : memref<1x80x128xi32, #tpu.memory_space<hbm>> -> memref<80x128xi32, #tpu.memory_space<hbm>>
      %dma_wait3A_136 = arith.constant 0 : i32
      %dma_wait3A_137 = arith.constant 0 : i32
      %dma_wait3A_138 = tpu.memref_slice %arg2[%add3A, %dma_wait3A_136, %dma_wait3A_137] : memref<32x80x128xi32, #tpu.memory_space<hbm>> -> memref<1x80x128xi32, #tpu.memory_space<hbm>>
      %dma_wait3A_139 = tpu.memref_squeeze %dma_wait3A_138 : memref<1x80x128xi32, #tpu.memory_space<hbm>> -> memref<80x128xi32, #tpu.memory_space<hbm>>
      tpu.wait_dma2 semaphore(%run_scoped3A : memref<!tpu.dma_semaphore, #tpu.memory_space<semaphore_mem>>) src(%dma_wait3A_139 : memref<80x128xi32, #tpu.memory_space<hbm>>) dst(%arg6 : memref<80x128xi32, #tpu.memory_space<vmem>>)
      tpu.yield
    }) : () -> ()
    "tpu.region"() ({
      %run_scoped3A = tpu.sem_alloc : memref<!tpu.dma_semaphore, #tpu.memory_space<semaphore_mem>>
      tpu.enqueue_dma source(%arg4 : memref<128x16xf32, #tpu.memory_space<hbm>>) target(%arg7 : memref<128x16xf32, #tpu.memory_space<vmem>>) target_semaphore(%run_scoped3A : memref<!tpu.dma_semaphore, #tpu.memory_space<semaphore_mem>>)
      tpu.wait_dma2 semaphore(%run_scoped3A : memref<!tpu.dma_semaphore, #tpu.memory_space<semaphore_mem>>) src(%arg4 : memref<128x16xf32, #tpu.memory_space<hbm>>) dst(%arg7 : memref<128x16xf32, #tpu.memory_space<vmem>>)
      tpu.yield
    }) : () -> ()
    %barrier3A = arith.constant 0 : index
    tpu.barrier barrier_id(%barrier3A)
    %dma_start3A = arith.constant 0 : i32
    %dma_start3A_5 = arith.constant 0 : i32
    %dma_start3A_6 = tpu.memref_slice %arg6[%dma_start3A, %dma_start3A_5] : memref<80x128xi32, #tpu.memory_space<vmem>> -> memref<1x128xi32, #tpu.memory_space<vmem>>
    %dma_start3A_7 = tpu.memref_squeeze %dma_start3A_6 : memref<1x128xi32, #tpu.memory_space<vmem>> -> memref<128xi32, #tpu.memory_space<vmem>>
    %dma_start3A_8 = arith.constant 0 : i32
    %dma_start3A_9 = arith.constant 0 : i32
    %dma_start3A_10 = tpu.memref_slice %arg8[%dma_start3A_8, %dma_start3A_9] : memref<10240x16xf32, #tpu.memory_space<vmem_shared>> -> memref<10240x16xf32, #tpu.memory_space<vmem_shared>>
    tpu.enqueue_indirect_dma source(%arg7 : memref<128x16xf32, #tpu.memory_space<vmem>>) target(%dma_start3A_10 : memref<10240x16xf32, #tpu.memory_space<vmem_shared>>) offsets(%dma_start3A_7 : memref<128xi32, #tpu.memory_space<vmem>>) semaphore(%arg9 : memref<!tpu.dma_semaphore, #tpu.memory_space<semaphore_mem>>) {add = true}
    %dma_start3A_11 = arith.constant 1 : i32
    %dma_start3A_12 = arith.constant 0 : i32
    %dma_start3A_13 = tpu.memref_slice %arg6[%dma_start3A_11, %dma_start3A_12] : memref<80x128xi32, #tpu.memory_space<vmem>> -> memref<1x128xi32, #tpu.memory_space<vmem>>
    %dma_start3A_14 = tpu.memref_squeeze %dma_start3A_13 : memref<1x128xi32, #tpu.memory_space<vmem>> -> memref<128xi32, #tpu.memory_space<vmem>>
    %dma_start3A_15 = arith.constant 0 : i32
    %dma_start3A_16 = arith.constant 0 : i32
    %dma_start3A_17 = tpu.memref_slice %arg8[%dma_start3A_15, %dma_start3A_16] : memref<10240x16xf32, #tpu.memory_space<vmem_shared>> -> memref<10240x16xf32, #tpu.memory_space<vmem_shared>>
    tpu.enqueue_indirect_dma source(%arg7 : memref<128x16xf32, #tpu.memory_space<vmem>>) target(%dma_start3A_17 : memref<10240x16xf32, #tpu.memory_space<vmem_shared>>) offsets(%dma_start3A_14 : memref<128xi32, #tpu.memory_space<vmem>>) semaphore(%arg9 : memref<!tpu.dma_semaphore, #tpu.memory_space<semaphore_mem>>) {add = true}
    %dma_start3A_18 = arith.constant 2 : i32
    %dma_start3A_19 = arith.constant 0 : i32
    %dma_start3A_20 = tpu.memref_slice %arg6[%dma_start3A_18, %dma_start3A_19] : memref<80x128xi32, #tpu.memory_space<vmem>> -> memref<1x128xi32, #tpu.memory_space<vmem>>
    %dma_start3A_21 = tpu.memref_squeeze %dma_start3A_20 : memref<1x128xi32, #tpu.memory_space<vmem>> -> memref<128xi32, #tpu.memory_space<vmem>>
    %dma_start3A_22 = arith.constant 0 : i32
    %dma_start3A_23 = arith.constant 0 : i32
    %dma_start3A_24 = tpu.memref_slice %arg8[%dma_start3A_22, %dma_start3A_23] : memref<10240x16xf32, #tpu.memory_space<vmem_shared>> -> memref<10240x16xf32, #tpu.memory_space<vmem_shared>>
    tpu.enqueue_indirect_dma source(%arg7 : memref<128x16xf32, #tpu.memory_space<vmem>>) target(%dma_start3A_24 : memref<10240x16xf32, #tpu.memory_space<vmem_shared>>) offsets(%dma_start3A_21 : memref<128xi32, #tpu.memory_space<vmem>>) semaphore(%arg9 : memref<!tpu.dma_semaphore, #tpu.memory_space<semaphore_mem>>) {add = true}
    %dma_start3A_25 = arith.constant 3 : i32
    %dma_start3A_26 = arith.constant 0 : i32
    %dma_start3A_27 = tpu.memref_slice %arg6[%dma_start3A_25, %dma_start3A_26] : memref<80x128xi32, #tpu.memory_space<vmem>> -> memref<1x128xi32, #tpu.memory_space<vmem>>
    %dma_start3A_28 = tpu.memref_squeeze %dma_start3A_27 : memref<1x128xi32, #tpu.memory_space<vmem>> -> memref<128xi32, #tpu.memory_space<vmem>>
    %dma_start3A_29 = arith.constant 0 : i32
    %dma_start3A_30 = arith.constant 0 : i32
    %dma_start3A_31 = tpu.memref_slice %arg8[%dma_start3A_29, %dma_start3A_30] : memref<10240x16xf32, #tpu.memory_space<vmem_shared>> -> memref<10240x16xf32, #tpu.memory_space<vmem_shared>>
    tpu.enqueue_indirect_dma source(%arg7 : memref<128x16xf32, #tpu.memory_space<vmem>>) target(%dma_start3A_31 : memref<10240x16xf32, #tpu.memory_space<vmem_shared>>) offsets(%dma_start3A_28 : memref<128xi32, #tpu.memory_space<vmem>>) semaphore(%arg9 : memref<!tpu.dma_semaphore, #tpu.memory_space<semaphore_mem>>) {add = true}
    %dma_start3A_32 = arith.constant 4 : i32
    %dma_start3A_33 = arith.constant 0 : i32
    %dma_start3A_34 = tpu.memref_slice %arg6[%dma_start3A_32, %dma_start3A_33] : memref<80x128xi32, #tpu.memory_space<vmem>> -> memref<1x128xi32, #tpu.memory_space<vmem>>
    %dma_start3A_35 = tpu.memref_squeeze %dma_start3A_34 : memref<1x128xi32, #tpu.memory_space<vmem>> -> memref<128xi32, #tpu.memory_space<vmem>>
    %dma_start3A_36 = arith.constant 0 : i32
    %dma_start3A_37 = arith.constant 0 : i32
    %dma_start3A_38 = tpu.memref_slice %arg8[%dma_start3A_36, %dma_start3A_37] : memref<10240x16xf32, #tpu.memory_space<vmem_shared>> -> memref<10240x16xf32, #tpu.memory_space<vmem_shared>>
    tpu.enqueue_indirect_dma source(%arg7 : memref<128x16xf32, #tpu.memory_space<vmem>>) target(%dma_start3A_38 : memref<10240x16xf32, #tpu.memory_space<vmem_shared>>) offsets(%dma_start3A_35 : memref<128xi32, #tpu.memory_space<vmem>>) semaphore(%arg9 : memref<!tpu.dma_semaphore, #tpu.memory_space<semaphore_mem>>) {add = true}
    %dma_start3A_39 = arith.constant 5 : i32
    %dma_start3A_40 = arith.constant 0 : i32
    %dma_start3A_41 = tpu.memref_slice %arg6[%dma_start3A_39, %dma_start3A_40] : memref<80x128xi32, #tpu.memory_space<vmem>> -> memref<1x128xi32, #tpu.memory_space<vmem>>
    %dma_start3A_42 = tpu.memref_squeeze %dma_start3A_41 : memref<1x128xi32, #tpu.memory_space<vmem>> -> memref<128xi32, #tpu.memory_space<vmem>>
    %dma_start3A_43 = arith.constant 0 : i32
    %dma_start3A_44 = arith.constant 0 : i32
    %dma_start3A_45 = tpu.memref_slice %arg8[%dma_start3A_43, %dma_start3A_44] : memref<10240x16xf32, #tpu.memory_space<vmem_shared>> -> memref<10240x16xf32, #tpu.memory_space<vmem_shared>>
    tpu.enqueue_indirect_dma source(%arg7 : memref<128x16xf32, #tpu.memory_space<vmem>>) target(%dma_start3A_45 : memref<10240x16xf32, #tpu.memory_space<vmem_shared>>) offsets(%dma_start3A_42 : memref<128xi32, #tpu.memory_space<vmem>>) semaphore(%arg9 : memref<!tpu.dma_semaphore, #tpu.memory_space<semaphore_mem>>) {add = true}
    %dma_start3A_46 = arith.constant 6 : i32
    %dma_start3A_47 = arith.constant 0 : i32
    %dma_start3A_48 = tpu.memref_slice %arg6[%dma_start3A_46, %dma_start3A_47] : memref<80x128xi32, #tpu.memory_space<vmem>> -> memref<1x128xi32, #tpu.memory_space<vmem>>
    %dma_start3A_49 = tpu.memref_squeeze %dma_start3A_48 : memref<1x128xi32, #tpu.memory_space<vmem>> -> memref<128xi32, #tpu.memory_space<vmem>>
    %dma_start3A_50 = arith.constant 0 : i32
    %dma_start3A_51 = arith.constant 0 : i32
    %dma_start3A_52 = tpu.memref_slice %arg8[%dma_start3A_50, %dma_start3A_51] : memref<10240x16xf32, #tpu.memory_space<vmem_shared>> -> memref<10240x16xf32, #tpu.memory_space<vmem_shared>>
    tpu.enqueue_indirect_dma source(%arg7 : memref<128x16xf32, #tpu.memory_space<vmem>>) target(%dma_start3A_52 : memref<10240x16xf32, #tpu.memory_space<vmem_shared>>) offsets(%dma_start3A_49 : memref<128xi32, #tpu.memory_space<vmem>>) semaphore(%arg9 : memref<!tpu.dma_semaphore, #tpu.memory_space<semaphore_mem>>) {add = true}
    %dma_start3A_53 = arith.constant 7 : i32
    %dma_start3A_54 = arith.constant 0 : i32
    %dma_start3A_55 = tpu.memref_slice %arg6[%dma_start3A_53, %dma_start3A_54] : memref<80x128xi32, #tpu.memory_space<vmem>> -> memref<1x128xi32, #tpu.memory_space<vmem>>
    %dma_start3A_56 = tpu.memref_squeeze %dma_start3A_55 : memref<1x128xi32, #tpu.memory_space<vmem>> -> memref<128xi32, #tpu.memory_space<vmem>>
    %dma_start3A_57 = arith.constant 0 : i32
    %dma_start3A_58 = arith.constant 0 : i32
    %dma_start3A_59 = tpu.memref_slice %arg8[%dma_start3A_57, %dma_start3A_58] : memref<10240x16xf32, #tpu.memory_space<vmem_shared>> -> memref<10240x16xf32, #tpu.memory_space<vmem_shared>>
    tpu.enqueue_indirect_dma source(%arg7 : memref<128x16xf32, #tpu.memory_space<vmem>>) target(%dma_start3A_59 : memref<10240x16xf32, #tpu.memory_space<vmem_shared>>) offsets(%dma_start3A_56 : memref<128xi32, #tpu.memory_space<vmem>>) semaphore(%arg9 : memref<!tpu.dma_semaphore, #tpu.memory_space<semaphore_mem>>) {add = true}
    %scan3A = arith.constant 0 : i32
    %scan3A_60 = arith.constant 72 : i32
    %scan3A_61 = arith.addi %scan3A, %scan3A_60 : i32
    %scan3A_62 = arith.constant 1 : i32
    scf.for %scan3A_124 = %scan3A to %scan3A_61 step %scan3A_62  : i32 {
      %dma_wait3A_125 = arith.constant 0 : i32
      %dma_wait3A_126 = arith.constant 0 : i32
      %dma_wait3A_127 = tpu.memref_slice %arg6[%dma_wait3A_125, %dma_wait3A_126] : memref<80x128xi32, #tpu.memory_space<vmem>> -> memref<1x128xi32, #tpu.memory_space<vmem>>
      %dma_wait3A_128 = tpu.memref_squeeze %dma_wait3A_127 : memref<1x128xi32, #tpu.memory_space<vmem>> -> memref<128xi32, #tpu.memory_space<vmem>>
      %dma_wait3A_129 = arith.constant 0 : i32
      %dma_wait3A_130 = arith.constant 0 : i32
      %dma_wait3A_131 = tpu.memref_slice %arg8[%dma_wait3A_129, %dma_wait3A_130] : memref<10240x16xf32, #tpu.memory_space<vmem_shared>> -> memref<10240x16xf32, #tpu.memory_space<vmem_shared>>
      tpu.wait_indirect_dma semaphore(%arg9 : memref<!tpu.dma_semaphore, #tpu.memory_space<semaphore_mem>>) src(%arg7 : memref<128x16xf32, #tpu.memory_space<vmem>>) dst(%dma_wait3A_131 : memref<10240x16xf32, #tpu.memory_space<vmem_shared>>)
      %add3A_132 = arith.constant 8 : i32
      %add3A_133 = arith.addi %scan3A_124, %add3A_132 : i32
      %dma_start3A_134 = arith.constant 0 : i32
      %dma_start3A_135 = tpu.memref_slice %arg6[%add3A_133, %dma_start3A_134] : memref<80x128xi32, #tpu.memory_space<vmem>> -> memref<1x128xi32, #tpu.memory_space<vmem>>
      %dma_start3A_136 = tpu.memref_squeeze %dma_start3A_135 : memref<1x128xi32, #tpu.memory_space<vmem>> -> memref<128xi32, #tpu.memory_space<vmem>>
      %dma_start3A_137 = arith.constant 0 : i32
      %dma_start3A_138 = arith.constant 0 : i32
      %dma_start3A_139 = tpu.memref_slice %arg8[%dma_start3A_137, %dma_start3A_138] : memref<10240x16xf32, #tpu.memory_space<vmem_shared>> -> memref<10240x16xf32, #tpu.memory_space<vmem_shared>>
      tpu.enqueue_indirect_dma source(%arg7 : memref<128x16xf32, #tpu.memory_space<vmem>>) target(%dma_start3A_139 : memref<10240x16xf32, #tpu.memory_space<vmem_shared>>) offsets(%dma_start3A_136 : memref<128xi32, #tpu.memory_space<vmem>>) semaphore(%arg9 : memref<!tpu.dma_semaphore, #tpu.memory_space<semaphore_mem>>) {add = true}
    }
    %scan3A_63 = arith.constant 72 : i32
    %dma_wait3A = arith.constant 0 : i32
    %dma_wait3A_64 = arith.constant 0 : i32
    %dma_wait3A_65 = tpu.memref_slice %arg6[%dma_wait3A, %dma_wait3A_64] : memref<80x128xi32, #tpu.memory_space<vmem>> -> memref<1x128xi32, #tpu.memory_space<vmem>>
    %dma_wait3A_66 = tpu.memref_squeeze %dma_wait3A_65 : memref<1x128xi32, #tpu.memory_space<vmem>> -> memref<128xi32, #tpu.memory_space<vmem>>
    %dma_wait3A_67 = arith.constant 0 : i32
    %dma_wait3A_68 = arith.constant 0 : i32
    %dma_wait3A_69 = tpu.memref_slice %arg8[%dma_wait3A_67, %dma_wait3A_68] : memref<10240x16xf32, #tpu.memory_space<vmem_shared>> -> memref<10240x16xf32, #tpu.memory_space<vmem_shared>>
    tpu.wait_indirect_dma semaphore(%arg9 : memref<!tpu.dma_semaphore, #tpu.memory_space<semaphore_mem>>) src(%arg7 : memref<128x16xf32, #tpu.memory_space<vmem>>) dst(%dma_wait3A_69 : memref<10240x16xf32, #tpu.memory_space<vmem_shared>>)
    %dma_wait3A_70 = arith.constant 1 : i32
    %dma_wait3A_71 = arith.constant 0 : i32
    %dma_wait3A_72 = tpu.memref_slice %arg6[%dma_wait3A_70, %dma_wait3A_71] : memref<80x128xi32, #tpu.memory_space<vmem>> -> memref<1x128xi32, #tpu.memory_space<vmem>>
    %dma_wait3A_73 = tpu.memref_squeeze %dma_wait3A_72 : memref<1x128xi32, #tpu.memory_space<vmem>> -> memref<128xi32, #tpu.memory_space<vmem>>
    %dma_wait3A_74 = arith.constant 0 : i32
    %dma_wait3A_75 = arith.constant 0 : i32
    %dma_wait3A_76 = tpu.memref_slice %arg8[%dma_wait3A_74, %dma_wait3A_75] : memref<10240x16xf32, #tpu.memory_space<vmem_shared>> -> memref<10240x16xf32, #tpu.memory_space<vmem_shared>>
    tpu.wait_indirect_dma semaphore(%arg9 : memref<!tpu.dma_semaphore, #tpu.memory_space<semaphore_mem>>) src(%arg7 : memref<128x16xf32, #tpu.memory_space<vmem>>) dst(%dma_wait3A_76 : memref<10240x16xf32, #tpu.memory_space<vmem_shared>>)
    %dma_wait3A_77 = arith.constant 2 : i32
    %dma_wait3A_78 = arith.constant 0 : i32
    %dma_wait3A_79 = tpu.memref_slice %arg6[%dma_wait3A_77, %dma_wait3A_78] : memref<80x128xi32, #tpu.memory_space<vmem>> -> memref<1x128xi32, #tpu.memory_space<vmem>>
    %dma_wait3A_80 = tpu.memref_squeeze %dma_wait3A_79 : memref<1x128xi32, #tpu.memory_space<vmem>> -> memref<128xi32, #tpu.memory_space<vmem>>
    %dma_wait3A_81 = arith.constant 0 : i32
    %dma_wait3A_82 = arith.constant 0 : i32
    %dma_wait3A_83 = tpu.memref_slice %arg8[%dma_wait3A_81, %dma_wait3A_82] : memref<10240x16xf32, #tpu.memory_space<vmem_shared>> -> memref<10240x16xf32, #tpu.memory_space<vmem_shared>>
    tpu.wait_indirect_dma semaphore(%arg9 : memref<!tpu.dma_semaphore, #tpu.memory_space<semaphore_mem>>) src(%arg7 : memref<128x16xf32, #tpu.memory_space<vmem>>) dst(%dma_wait3A_83 : memref<10240x16xf32, #tpu.memory_space<vmem_shared>>)
    %dma_wait3A_84 = arith.constant 3 : i32
    %dma_wait3A_85 = arith.constant 0 : i32
    %dma_wait3A_86 = tpu.memref_slice %arg6[%dma_wait3A_84, %dma_wait3A_85] : memref<80x128xi32, #tpu.memory_space<vmem>> -> memref<1x128xi32, #tpu.memory_space<vmem>>
    %dma_wait3A_87 = tpu.memref_squeeze %dma_wait3A_86 : memref<1x128xi32, #tpu.memory_space<vmem>> -> memref<128xi32, #tpu.memory_space<vmem>>
    %dma_wait3A_88 = arith.constant 0 : i32
    %dma_wait3A_89 = arith.constant 0 : i32
    %dma_wait3A_90 = tpu.memref_slice %arg8[%dma_wait3A_88, %dma_wait3A_89] : memref<10240x16xf32, #tpu.memory_space<vmem_shared>> -> memref<10240x16xf32, #tpu.memory_space<vmem_shared>>
    tpu.wait_indirect_dma semaphore(%arg9 : memref<!tpu.dma_semaphore, #tpu.memory_space<semaphore_mem>>) src(%arg7 : memref<128x16xf32, #tpu.memory_space<vmem>>) dst(%dma_wait3A_90 : memref<10240x16xf32, #tpu.memory_space<vmem_shared>>)
    %dma_wait3A_91 = arith.constant 4 : i32
    %dma_wait3A_92 = arith.constant 0 : i32
    %dma_wait3A_93 = tpu.memref_slice %arg6[%dma_wait3A_91, %dma_wait3A_92] : memref<80x128xi32, #tpu.memory_space<vmem>> -> memref<1x128xi32, #tpu.memory_space<vmem>>
    %dma_wait3A_94 = tpu.memref_squeeze %dma_wait3A_93 : memref<1x128xi32, #tpu.memory_space<vmem>> -> memref<128xi32, #tpu.memory_space<vmem>>
    %dma_wait3A_95 = arith.constant 0 : i32
    %dma_wait3A_96 = arith.constant 0 : i32
    %dma_wait3A_97 = tpu.memref_slice %arg8[%dma_wait3A_95, %dma_wait3A_96] : memref<10240x16xf32, #tpu.memory_space<vmem_shared>> -> memref<10240x16xf32, #tpu.memory_space<vmem_shared>>
    tpu.wait_indirect_dma semaphore(%arg9 : memref<!tpu.dma_semaphore, #tpu.memory_space<semaphore_mem>>) src(%arg7 : memref<128x16xf32, #tpu.memory_space<vmem>>) dst(%dma_wait3A_97 : memref<10240x16xf32, #tpu.memory_space<vmem_shared>>)
    %dma_wait3A_98 = arith.constant 5 : i32
    %dma_wait3A_99 = arith.constant 0 : i32
    %dma_wait3A_100 = tpu.memref_slice %arg6[%dma_wait3A_98, %dma_wait3A_99] : memref<80x128xi32, #tpu.memory_space<vmem>> -> memref<1x128xi32, #tpu.memory_space<vmem>>
    %dma_wait3A_101 = tpu.memref_squeeze %dma_wait3A_100 : memref<1x128xi32, #tpu.memory_space<vmem>> -> memref<128xi32, #tpu.memory_space<vmem>>
    %dma_wait3A_102 = arith.constant 0 : i32
    %dma_wait3A_103 = arith.constant 0 : i32
    %dma_wait3A_104 = tpu.memref_slice %arg8[%dma_wait3A_102, %dma_wait3A_103] : memref<10240x16xf32, #tpu.memory_space<vmem_shared>> -> memref<10240x16xf32, #tpu.memory_space<vmem_shared>>
    tpu.wait_indirect_dma semaphore(%arg9 : memref<!tpu.dma_semaphore, #tpu.memory_space<semaphore_mem>>) src(%arg7 : memref<128x16xf32, #tpu.memory_space<vmem>>) dst(%dma_wait3A_104 : memref<10240x16xf32, #tpu.memory_space<vmem_shared>>)
    %dma_wait3A_105 = arith.constant 6 : i32
    %dma_wait3A_106 = arith.constant 0 : i32
    %dma_wait3A_107 = tpu.memref_slice %arg6[%dma_wait3A_105, %dma_wait3A_106] : memref<80x128xi32, #tpu.memory_space<vmem>> -> memref<1x128xi32, #tpu.memory_space<vmem>>
    %dma_wait3A_108 = tpu.memref_squeeze %dma_wait3A_107 : memref<1x128xi32, #tpu.memory_space<vmem>> -> memref<128xi32, #tpu.memory_space<vmem>>
    %dma_wait3A_109 = arith.constant 0 : i32
    %dma_wait3A_110 = arith.constant 0 : i32
    %dma_wait3A_111 = tpu.memref_slice %arg8[%dma_wait3A_109, %dma_wait3A_110] : memref<10240x16xf32, #tpu.memory_space<vmem_shared>> -> memref<10240x16xf32, #tpu.memory_space<vmem_shared>>
    tpu.wait_indirect_dma semaphore(%arg9 : memref<!tpu.dma_semaphore, #tpu.memory_space<semaphore_mem>>) src(%arg7 : memref<128x16xf32, #tpu.memory_space<vmem>>) dst(%dma_wait3A_111 : memref<10240x16xf32, #tpu.memory_space<vmem_shared>>)
    %dma_wait3A_112 = arith.constant 7 : i32
    %dma_wait3A_113 = arith.constant 0 : i32
    %dma_wait3A_114 = tpu.memref_slice %arg6[%dma_wait3A_112, %dma_wait3A_113] : memref<80x128xi32, #tpu.memory_space<vmem>> -> memref<1x128xi32, #tpu.memory_space<vmem>>
    %dma_wait3A_115 = tpu.memref_squeeze %dma_wait3A_114 : memref<1x128xi32, #tpu.memory_space<vmem>> -> memref<128xi32, #tpu.memory_space<vmem>>
    %dma_wait3A_116 = arith.constant 0 : i32
    %dma_wait3A_117 = arith.constant 0 : i32
    %dma_wait3A_118 = tpu.memref_slice %arg8[%dma_wait3A_116, %dma_wait3A_117] : memref<10240x16xf32, #tpu.memory_space<vmem_shared>> -> memref<10240x16xf32, #tpu.memory_space<vmem_shared>>
    tpu.wait_indirect_dma semaphore(%arg9 : memref<!tpu.dma_semaphore, #tpu.memory_space<semaphore_mem>>) src(%arg7 : memref<128x16xf32, #tpu.memory_space<vmem>>) dst(%dma_wait3A_118 : memref<10240x16xf32, #tpu.memory_space<vmem_shared>>)
    %barrier3A_119 = arith.constant 0 : index
    tpu.barrier barrier_id(%barrier3A_119)
    %mul3A_120 = arith.constant 640 : i32
    %mul3A_121 = arith.muli %arg1, %mul3A_120 : i32
    %mul3A_122 = arith.constant 640 : i32
    %mul3A_123 = arith.muli %arg1, %mul3A_122 : i32
    "tpu.region"() ({
      %run_scoped3A = tpu.sem_alloc : memref<!tpu.dma_semaphore, #tpu.memory_space<semaphore_mem>>
      %dma_start3A_124 = arith.constant 0 : i32
      %dma_start3A_125 = tpu.memref_slice %arg5[%arg0, %mul3A_123, %dma_start3A_124] : memref<2x10240x16xf32, #tpu.memory_space<hbm>> -> memref<1x640x16xf32, #tpu.memory_space<hbm>>
      %dma_start3A_126 = tpu.memref_squeeze %dma_start3A_125 : memref<1x640x16xf32, #tpu.memory_space<hbm>> -> memref<640x16xf32, #tpu.memory_space<hbm>>
      %dma_start3A_127 = arith.constant 0 : i32
      %dma_start3A_128 = tpu.memref_slice %arg8[%mul3A_121, %dma_start3A_127] : memref<10240x16xf32, #tpu.memory_space<vmem_shared>> -> memref<640x16xf32, #tpu.memory_space<vmem_shared>>
      tpu.enqueue_dma source(%dma_start3A_128 : memref<640x16xf32, #tpu.memory_space<vmem_shared>>) target(%dma_start3A_126 : memref<640x16xf32, #tpu.memory_space<hbm>>) target_semaphore(%run_scoped3A : memref<!tpu.dma_semaphore, #tpu.memory_space<semaphore_mem>>)
      %dma_wait3A_129 = arith.constant 0 : i32
      %dma_wait3A_130 = tpu.memref_slice %arg5[%arg0, %mul3A_123, %dma_wait3A_129] : memref<2x10240x16xf32, #tpu.memory_space<hbm>> -> memref<1x640x16xf32, #tpu.memory_space<hbm>>
      %dma_wait3A_131 = tpu.memref_squeeze %dma_wait3A_130 : memref<1x640x16xf32, #tpu.memory_space<hbm>> -> memref<640x16xf32, #tpu.memory_space<hbm>>
      %dma_wait3A_132 = arith.constant 0 : i32
      %dma_wait3A_133 = tpu.memref_slice %arg8[%mul3A_121, %dma_wait3A_132] : memref<10240x16xf32, #tpu.memory_space<vmem_shared>> -> memref<640x16xf32, #tpu.memory_space<vmem_shared>>
      tpu.wait_dma2 semaphore(%run_scoped3A : memref<!tpu.dma_semaphore, #tpu.memory_space<semaphore_mem>>) src(%dma_wait3A_133 : memref<640x16xf32, #tpu.memory_space<vmem_shared>>) dst(%dma_wait3A_131 : memref<640x16xf32, #tpu.memory_space<hbm>>)
      tpu.yield
    }) : () -> ()
    return
  }
}

#map = affine_map<(d0, d1) -> (0, 0)>
#map1 = affine_map<(d0, d1) -> (0, 0, 0)>
module attributes {stable_mosaic.version = 14 : i64} {
  func.func @_agg_body(%arg0: i32, %arg1: i32, %arg2: memref<10000x128xbf16, #tpu.memory_space<hbm>>, %arg3: memref<10000x128xbf16, #tpu.memory_space<hbm>>, %arg4: memref<32x80x128xi32, #tpu.memory_space<hbm>>, %arg5: memref<32x80x128xi32, #tpu.memory_space<hbm>>, %arg6: memref<10240x128xbf16, #tpu.memory_space<hbm>>, %arg7: memref<10240x128xbf16, #tpu.memory_space<hbm>>, %arg8: memref<10240x128xbf16, #tpu.memory_space<hbm>>, %arg9: memref<40x128xi32, #tpu.memory_space<vmem>>, %arg10: memref<40x128xi32, #tpu.memory_space<vmem>>, %arg11: memref<128x128xbf16, #tpu.memory_space<vmem>>, %arg12: memref<128x128xbf16, #tpu.memory_space<vmem>>, %arg13: memref<128x128xbf16, #tpu.memory_space<vmem>>, %arg14: memref<128x128xbf16, #tpu.memory_space<vmem>>, %arg15: memref<10240x128xbf16, #tpu.memory_space<vmem_shared>>, %arg16: memref<!tpu.dma_semaphore, #tpu.memory_space<semaphore_mem>>, %arg17: memref<!tpu.dma_semaphore, #tpu.memory_space<semaphore_mem>>, %arg18: memref<!tpu.dma_semaphore, #tpu.memory_space<semaphore_mem>>, %arg19: memref<!tpu.dma_semaphore, #tpu.memory_space<semaphore_mem>>, %arg20: memref<!tpu.dma_semaphore, #tpu.memory_space<semaphore_mem>>, %arg21: memref<!tpu.dma_semaphore, #tpu.memory_space<semaphore_mem>>, %arg22: memref<!tpu.dma_semaphore, #tpu.memory_space<semaphore_mem>>, %arg23: memref<!tpu.dma_semaphore, #tpu.memory_space<semaphore_mem>>) attributes {dimension_semantics = [#tpu.dimension_semantics<core_parallel>, #tpu.dimension_semantics<subcore_parallel>], iteration_bounds = array<i64: 2, 16>, scalar_prefetch = 0 : i64, scratch_operands = 15 : i64, tpu.core_type = #tpu.core_type<sc_vector_subcore>, window_params = [{transform_indices = #map}, {transform_indices = #map}, {transform_indices = #map1}, {transform_indices = #map1}, {transform_indices = #map}, {transform_indices = #map}, {transform_indices = #map}]} {
    %mul3A = arith.constant 16 : i32
    %mul3A_0 = arith.muli %arg0, %mul3A : i32
    %add3A = arith.addi %mul3A_0, %arg1 : i32
    %eq3A = arith.constant 0 : i32
    %eq3A_1 = arith.cmpi eq, %arg0, %eq3A : i32
    %convert_element_type3A = arith.extui %eq3A_1 : i1 to i32
    %cond3A = arith.constant 0 : i32
    %cond3A_2 = arith.cmpi ne, %convert_element_type3A, %cond3A : i32
    scf.if %cond3A_2 {
      %mul3A_145 = arith.constant 624 : i32
      %mul3A_146 = arith.muli %arg1, %mul3A_145 : i32
      %mul3A_147 = arith.constant 624 : i32
      %mul3A_148 = arith.muli %arg1, %mul3A_147 : i32
      "tpu.region"() ({
        %run_scoped3A = tpu.sem_alloc : memref<!tpu.dma_semaphore, #tpu.memory_space<semaphore_mem>>
        %dma_start3A_149 = arith.constant 0 : i32
        %dma_start3A_150 = tpu.memref_slice %arg15[%mul3A_148, %dma_start3A_149] : memref<10240x128xbf16, #tpu.memory_space<vmem_shared>> -> memref<624x128xbf16, #tpu.memory_space<vmem_shared>>
        %dma_start3A_151 = arith.constant 0 : i32
        %dma_start3A_152 = tpu.memref_slice %arg3[%mul3A_146, %dma_start3A_151] : memref<10000x128xbf16, #tpu.memory_space<hbm>> -> memref<624x128xbf16, #tpu.memory_space<hbm>>
        tpu.enqueue_dma source(%dma_start3A_152 : memref<624x128xbf16, #tpu.memory_space<hbm>>) target(%dma_start3A_150 : memref<624x128xbf16, #tpu.memory_space<vmem_shared>>) target_semaphore(%run_scoped3A : memref<!tpu.dma_semaphore, #tpu.memory_space<semaphore_mem>>)
        %dma_wait3A_153 = arith.constant 0 : i32
        %dma_wait3A_154 = tpu.memref_slice %arg15[%mul3A_148, %dma_wait3A_153] : memref<10240x128xbf16, #tpu.memory_space<vmem_shared>> -> memref<624x128xbf16, #tpu.memory_space<vmem_shared>>
        %dma_wait3A_155 = arith.constant 0 : i32
        %dma_wait3A_156 = tpu.memref_slice %arg3[%mul3A_146, %dma_wait3A_155] : memref<10000x128xbf16, #tpu.memory_space<hbm>> -> memref<624x128xbf16, #tpu.memory_space<hbm>>
        tpu.wait_dma2 semaphore(%run_scoped3A : memref<!tpu.dma_semaphore, #tpu.memory_space<semaphore_mem>>) src(%dma_wait3A_156 : memref<624x128xbf16, #tpu.memory_space<hbm>>) dst(%dma_wait3A_154 : memref<624x128xbf16, #tpu.memory_space<vmem_shared>>)
        tpu.yield
      }) : () -> ()
    } else {
    }
    %eq3A_3 = arith.constant 0 : i32
    %eq3A_4 = arith.cmpi eq, %arg0, %eq3A_3 : i32
    %eq3A_5 = arith.constant 0 : i32
    %eq3A_6 = arith.cmpi eq, %arg1, %eq3A_5 : i32
    %and3A = arith.andi %eq3A_4, %eq3A_6 : i1
    %convert_element_type3A_7 = arith.extui %and3A : i1 to i32
    %cond3A_8 = arith.constant 0 : i32
    %cond3A_9 = arith.cmpi ne, %convert_element_type3A_7, %cond3A_8 : i32
    scf.if %cond3A_9 {
      "tpu.region"() ({
        %run_scoped3A = tpu.sem_alloc : memref<!tpu.dma_semaphore, #tpu.memory_space<semaphore_mem>>
        %dma_start3A_145 = arith.constant 9984 : i32
        %dma_start3A_146 = arith.constant 0 : i32
        %dma_start3A_147 = tpu.memref_slice %arg15[%dma_start3A_145, %dma_start3A_146] : memref<10240x128xbf16, #tpu.memory_space<vmem_shared>> -> memref<16x128xbf16, #tpu.memory_space<vmem_shared>>
        %dma_start3A_148 = arith.constant 9984 : i32
        %dma_start3A_149 = arith.constant 0 : i32
        %dma_start3A_150 = tpu.memref_slice %arg3[%dma_start3A_148, %dma_start3A_149] : memref<10000x128xbf16, #tpu.memory_space<hbm>> -> memref<16x128xbf16, #tpu.memory_space<hbm>>
        tpu.enqueue_dma source(%dma_start3A_150 : memref<16x128xbf16, #tpu.memory_space<hbm>>) target(%dma_start3A_147 : memref<16x128xbf16, #tpu.memory_space<vmem_shared>>) target_semaphore(%run_scoped3A : memref<!tpu.dma_semaphore, #tpu.memory_space<semaphore_mem>>)
        %dma_wait3A_151 = arith.constant 9984 : i32
        %dma_wait3A_152 = arith.constant 0 : i32
        %dma_wait3A_153 = tpu.memref_slice %arg15[%dma_wait3A_151, %dma_wait3A_152] : memref<10240x128xbf16, #tpu.memory_space<vmem_shared>> -> memref<16x128xbf16, #tpu.memory_space<vmem_shared>>
        %dma_wait3A_154 = arith.constant 9984 : i32
        %dma_wait3A_155 = arith.constant 0 : i32
        %dma_wait3A_156 = tpu.memref_slice %arg3[%dma_wait3A_154, %dma_wait3A_155] : memref<10000x128xbf16, #tpu.memory_space<hbm>> -> memref<16x128xbf16, #tpu.memory_space<hbm>>
        tpu.wait_dma2 semaphore(%run_scoped3A : memref<!tpu.dma_semaphore, #tpu.memory_space<semaphore_mem>>) src(%dma_wait3A_156 : memref<16x128xbf16, #tpu.memory_space<hbm>>) dst(%dma_wait3A_153 : memref<16x128xbf16, #tpu.memory_space<vmem_shared>>)
        tpu.yield
      }) : () -> ()
    } else {
    }
    %eq3A_10 = arith.constant 1 : i32
    %eq3A_11 = arith.cmpi eq, %arg0, %eq3A_10 : i32
    %convert_element_type3A_12 = arith.extui %eq3A_11 : i1 to i32
    %cond3A_13 = arith.constant 0 : i32
    %cond3A_14 = arith.cmpi ne, %convert_element_type3A_12, %cond3A_13 : i32
    scf.if %cond3A_14 {
      %mul3A_145 = arith.constant 640 : i32
      %mul3A_146 = arith.muli %arg1, %mul3A_145 : i32
      %mul3A_147 = arith.constant 640 : i32
      %mul3A_148 = arith.muli %arg1, %mul3A_147 : i32
      "tpu.region"() ({
        %run_scoped3A = tpu.sem_alloc : memref<!tpu.dma_semaphore, #tpu.memory_space<semaphore_mem>>
        %dma_start3A_149 = arith.constant 0 : i32
        %dma_start3A_150 = tpu.memref_slice %arg15[%mul3A_148, %dma_start3A_149] : memref<10240x128xbf16, #tpu.memory_space<vmem_shared>> -> memref<640x128xbf16, #tpu.memory_space<vmem_shared>>
        %dma_start3A_151 = arith.constant 0 : i32
        %dma_start3A_152 = tpu.memref_slice %arg6[%mul3A_146, %dma_start3A_151] : memref<10240x128xbf16, #tpu.memory_space<hbm>> -> memref<640x128xbf16, #tpu.memory_space<hbm>>
        tpu.enqueue_dma source(%dma_start3A_152 : memref<640x128xbf16, #tpu.memory_space<hbm>>) target(%dma_start3A_150 : memref<640x128xbf16, #tpu.memory_space<vmem_shared>>) target_semaphore(%run_scoped3A : memref<!tpu.dma_semaphore, #tpu.memory_space<semaphore_mem>>)
        %dma_wait3A_153 = arith.constant 0 : i32
        %dma_wait3A_154 = tpu.memref_slice %arg15[%mul3A_148, %dma_wait3A_153] : memref<10240x128xbf16, #tpu.memory_space<vmem_shared>> -> memref<640x128xbf16, #tpu.memory_space<vmem_shared>>
        %dma_wait3A_155 = arith.constant 0 : i32
        %dma_wait3A_156 = tpu.memref_slice %arg6[%mul3A_146, %dma_wait3A_155] : memref<10240x128xbf16, #tpu.memory_space<hbm>> -> memref<640x128xbf16, #tpu.memory_space<hbm>>
        tpu.wait_dma2 semaphore(%run_scoped3A : memref<!tpu.dma_semaphore, #tpu.memory_space<semaphore_mem>>) src(%dma_wait3A_156 : memref<640x128xbf16, #tpu.memory_space<hbm>>) dst(%dma_wait3A_154 : memref<640x128xbf16, #tpu.memory_space<vmem_shared>>)
        tpu.yield
      }) : () -> ()
    } else {
    }
    %barrier3A = arith.constant 0 : index
    tpu.barrier barrier_id(%barrier3A)
    "tpu.region"() ({
      %run_scoped3A = tpu.sem_alloc : memref<!tpu.dma_semaphore, #tpu.memory_space<semaphore_mem>>
      %dma_start3A_145 = arith.constant 0 : i32
      %dma_start3A_146 = arith.constant 0 : i32
      %dma_start3A_147 = tpu.memref_slice %arg4[%add3A, %dma_start3A_145, %dma_start3A_146] : memref<32x80x128xi32, #tpu.memory_space<hbm>> -> memref<1x40x128xi32, #tpu.memory_space<hbm>>
      %dma_start3A_148 = tpu.memref_squeeze %dma_start3A_147 : memref<1x40x128xi32, #tpu.memory_space<hbm>> -> memref<40x128xi32, #tpu.memory_space<hbm>>
      %dma_start3A_149 = arith.constant 0 : i32
      %dma_start3A_150 = arith.constant 0 : i32
      %dma_start3A_151 = tpu.memref_slice %arg4[%add3A, %dma_start3A_149, %dma_start3A_150] : memref<32x80x128xi32, #tpu.memory_space<hbm>> -> memref<1x40x128xi32, #tpu.memory_space<hbm>>
      %dma_start3A_152 = tpu.memref_squeeze %dma_start3A_151 : memref<1x40x128xi32, #tpu.memory_space<hbm>> -> memref<40x128xi32, #tpu.memory_space<hbm>>
      tpu.enqueue_dma source(%dma_start3A_152 : memref<40x128xi32, #tpu.memory_space<hbm>>) target(%arg9 : memref<40x128xi32, #tpu.memory_space<vmem>>) target_semaphore(%run_scoped3A : memref<!tpu.dma_semaphore, #tpu.memory_space<semaphore_mem>>)
      %dma_wait3A_153 = arith.constant 0 : i32
      %dma_wait3A_154 = arith.constant 0 : i32
      %dma_wait3A_155 = tpu.memref_slice %arg4[%add3A, %dma_wait3A_153, %dma_wait3A_154] : memref<32x80x128xi32, #tpu.memory_space<hbm>> -> memref<1x40x128xi32, #tpu.memory_space<hbm>>
      %dma_wait3A_156 = tpu.memref_squeeze %dma_wait3A_155 : memref<1x40x128xi32, #tpu.memory_space<hbm>> -> memref<40x128xi32, #tpu.memory_space<hbm>>
      %dma_wait3A_157 = arith.constant 0 : i32
      %dma_wait3A_158 = arith.constant 0 : i32
      %dma_wait3A_159 = tpu.memref_slice %arg4[%add3A, %dma_wait3A_157, %dma_wait3A_158] : memref<32x80x128xi32, #tpu.memory_space<hbm>> -> memref<1x40x128xi32, #tpu.memory_space<hbm>>
      %dma_wait3A_160 = tpu.memref_squeeze %dma_wait3A_159 : memref<1x40x128xi32, #tpu.memory_space<hbm>> -> memref<40x128xi32, #tpu.memory_space<hbm>>
      tpu.wait_dma2 semaphore(%run_scoped3A : memref<!tpu.dma_semaphore, #tpu.memory_space<semaphore_mem>>) src(%dma_wait3A_160 : memref<40x128xi32, #tpu.memory_space<hbm>>) dst(%arg9 : memref<40x128xi32, #tpu.memory_space<vmem>>)
      tpu.yield
    }) : () -> ()
    "tpu.region"() ({
      %run_scoped3A = tpu.sem_alloc : memref<!tpu.dma_semaphore, #tpu.memory_space<semaphore_mem>>
      %dma_start3A_145 = arith.constant 0 : i32
      %dma_start3A_146 = arith.constant 0 : i32
      %dma_start3A_147 = tpu.memref_slice %arg5[%add3A, %dma_start3A_145, %dma_start3A_146] : memref<32x80x128xi32, #tpu.memory_space<hbm>> -> memref<1x40x128xi32, #tpu.memory_space<hbm>>
      %dma_start3A_148 = tpu.memref_squeeze %dma_start3A_147 : memref<1x40x128xi32, #tpu.memory_space<hbm>> -> memref<40x128xi32, #tpu.memory_space<hbm>>
      %dma_start3A_149 = arith.constant 0 : i32
      %dma_start3A_150 = arith.constant 0 : i32
      %dma_start3A_151 = tpu.memref_slice %arg5[%add3A, %dma_start3A_149, %dma_start3A_150] : memref<32x80x128xi32, #tpu.memory_space<hbm>> -> memref<1x40x128xi32, #tpu.memory_space<hbm>>
      %dma_start3A_152 = tpu.memref_squeeze %dma_start3A_151 : memref<1x40x128xi32, #tpu.memory_space<hbm>> -> memref<40x128xi32, #tpu.memory_space<hbm>>
      tpu.enqueue_dma source(%dma_start3A_152 : memref<40x128xi32, #tpu.memory_space<hbm>>) target(%arg10 : memref<40x128xi32, #tpu.memory_space<vmem>>) target_semaphore(%run_scoped3A : memref<!tpu.dma_semaphore, #tpu.memory_space<semaphore_mem>>)
      %dma_wait3A_153 = arith.constant 0 : i32
      %dma_wait3A_154 = arith.constant 0 : i32
      %dma_wait3A_155 = tpu.memref_slice %arg5[%add3A, %dma_wait3A_153, %dma_wait3A_154] : memref<32x80x128xi32, #tpu.memory_space<hbm>> -> memref<1x40x128xi32, #tpu.memory_space<hbm>>
      %dma_wait3A_156 = tpu.memref_squeeze %dma_wait3A_155 : memref<1x40x128xi32, #tpu.memory_space<hbm>> -> memref<40x128xi32, #tpu.memory_space<hbm>>
      %dma_wait3A_157 = arith.constant 0 : i32
      %dma_wait3A_158 = arith.constant 0 : i32
      %dma_wait3A_159 = tpu.memref_slice %arg5[%add3A, %dma_wait3A_157, %dma_wait3A_158] : memref<32x80x128xi32, #tpu.memory_space<hbm>> -> memref<1x40x128xi32, #tpu.memory_space<hbm>>
      %dma_wait3A_160 = tpu.memref_squeeze %dma_wait3A_159 : memref<1x40x128xi32, #tpu.memory_space<hbm>> -> memref<40x128xi32, #tpu.memory_space<hbm>>
      tpu.wait_dma2 semaphore(%run_scoped3A : memref<!tpu.dma_semaphore, #tpu.memory_space<semaphore_mem>>) src(%dma_wait3A_160 : memref<40x128xi32, #tpu.memory_space<hbm>>) dst(%arg10 : memref<40x128xi32, #tpu.memory_space<vmem>>)
      tpu.yield
    }) : () -> ()
    %dma_start3A = arith.constant 0 : i32
    %dma_start3A_15 = arith.constant 0 : i32
    %dma_start3A_16 = tpu.memref_slice %arg9[%dma_start3A, %dma_start3A_15] : memref<40x128xi32, #tpu.memory_space<vmem>> -> memref<1x128xi32, #tpu.memory_space<vmem>>
    %dma_start3A_17 = tpu.memref_squeeze %dma_start3A_16 : memref<1x128xi32, #tpu.memory_space<vmem>> -> memref<128xi32, #tpu.memory_space<vmem>>
    %dma_start3A_18 = arith.constant 0 : i32
    %dma_start3A_19 = arith.constant 0 : i32
    %dma_start3A_20 = tpu.memref_slice %arg2[%dma_start3A_18, %dma_start3A_19] : memref<10000x128xbf16, #tpu.memory_space<hbm>> -> memref<10000x128xbf16, #tpu.memory_space<hbm>>
    tpu.enqueue_indirect_dma source(%dma_start3A_20 : memref<10000x128xbf16, #tpu.memory_space<hbm>>) target(%arg11 : memref<128x128xbf16, #tpu.memory_space<vmem>>) offsets(%dma_start3A_17 : memref<128xi32, #tpu.memory_space<vmem>>) semaphore(%arg16 : memref<!tpu.dma_semaphore, #tpu.memory_space<semaphore_mem>>)
    %dma_start3A_21 = arith.constant 1 : i32
    %dma_start3A_22 = arith.constant 0 : i32
    %dma_start3A_23 = tpu.memref_slice %arg9[%dma_start3A_21, %dma_start3A_22] : memref<40x128xi32, #tpu.memory_space<vmem>> -> memref<1x128xi32, #tpu.memory_space<vmem>>
    %dma_start3A_24 = tpu.memref_squeeze %dma_start3A_23 : memref<1x128xi32, #tpu.memory_space<vmem>> -> memref<128xi32, #tpu.memory_space<vmem>>
    %dma_start3A_25 = arith.constant 0 : i32
    %dma_start3A_26 = arith.constant 0 : i32
    %dma_start3A_27 = tpu.memref_slice %arg2[%dma_start3A_25, %dma_start3A_26] : memref<10000x128xbf16, #tpu.memory_space<hbm>> -> memref<10000x128xbf16, #tpu.memory_space<hbm>>
    tpu.enqueue_indirect_dma source(%dma_start3A_27 : memref<10000x128xbf16, #tpu.memory_space<hbm>>) target(%arg12 : memref<128x128xbf16, #tpu.memory_space<vmem>>) offsets(%dma_start3A_24 : memref<128xi32, #tpu.memory_space<vmem>>) semaphore(%arg17 : memref<!tpu.dma_semaphore, #tpu.memory_space<semaphore_mem>>)
    %dma_start3A_28 = arith.constant 2 : i32
    %dma_start3A_29 = arith.constant 0 : i32
    %dma_start3A_30 = tpu.memref_slice %arg9[%dma_start3A_28, %dma_start3A_29] : memref<40x128xi32, #tpu.memory_space<vmem>> -> memref<1x128xi32, #tpu.memory_space<vmem>>
    %dma_start3A_31 = tpu.memref_squeeze %dma_start3A_30 : memref<1x128xi32, #tpu.memory_space<vmem>> -> memref<128xi32, #tpu.memory_space<vmem>>
    %dma_start3A_32 = arith.constant 0 : i32
    %dma_start3A_33 = arith.constant 0 : i32
    %dma_start3A_34 = tpu.memref_slice %arg2[%dma_start3A_32, %dma_start3A_33] : memref<10000x128xbf16, #tpu.memory_space<hbm>> -> memref<10000x128xbf16, #tpu.memory_space<hbm>>
    tpu.enqueue_indirect_dma source(%dma_start3A_34 : memref<10000x128xbf16, #tpu.memory_space<hbm>>) target(%arg13 : memref<128x128xbf16, #tpu.memory_space<vmem>>) offsets(%dma_start3A_31 : memref<128xi32, #tpu.memory_space<vmem>>) semaphore(%arg18 : memref<!tpu.dma_semaphore, #tpu.memory_space<semaphore_mem>>)
    %dma_start3A_35 = arith.constant 3 : i32
    %dma_start3A_36 = arith.constant 0 : i32
    %dma_start3A_37 = tpu.memref_slice %arg9[%dma_start3A_35, %dma_start3A_36] : memref<40x128xi32, #tpu.memory_space<vmem>> -> memref<1x128xi32, #tpu.memory_space<vmem>>
    %dma_start3A_38 = tpu.memref_squeeze %dma_start3A_37 : memref<1x128xi32, #tpu.memory_space<vmem>> -> memref<128xi32, #tpu.memory_space<vmem>>
    %dma_start3A_39 = arith.constant 0 : i32
    %dma_start3A_40 = arith.constant 0 : i32
    %dma_start3A_41 = tpu.memref_slice %arg2[%dma_start3A_39, %dma_start3A_40] : memref<10000x128xbf16, #tpu.memory_space<hbm>> -> memref<10000x128xbf16, #tpu.memory_space<hbm>>
    tpu.enqueue_indirect_dma source(%dma_start3A_41 : memref<10000x128xbf16, #tpu.memory_space<hbm>>) target(%arg14 : memref<128x128xbf16, #tpu.memory_space<vmem>>) offsets(%dma_start3A_38 : memref<128xi32, #tpu.memory_space<vmem>>) semaphore(%arg19 : memref<!tpu.dma_semaphore, #tpu.memory_space<semaphore_mem>>)
    %scan3A = arith.constant 0 : i32
    %scan3A_42 = arith.constant 10 : i32
    %scan3A_43 = arith.addi %scan3A, %scan3A_42 : i32
    %scan3A_44 = arith.constant 1 : i32
    scf.for %scan3A_145 = %scan3A to %scan3A_43 step %scan3A_44  : i32 {
      %mul3A_146 = arith.constant 4 : i32
      %mul3A_147 = arith.muli %mul3A_146, %scan3A_145 : i32
      %add3A_148 = arith.constant 0 : i32
      %add3A_149 = arith.addi %mul3A_147, %add3A_148 : i32
      %dma_wait3A_150 = arith.constant 0 : i32
      %dma_wait3A_151 = tpu.memref_slice %arg9[%add3A_149, %dma_wait3A_150] : memref<40x128xi32, #tpu.memory_space<vmem>> -> memref<1x128xi32, #tpu.memory_space<vmem>>
      %dma_wait3A_152 = tpu.memref_squeeze %dma_wait3A_151 : memref<1x128xi32, #tpu.memory_space<vmem>> -> memref<128xi32, #tpu.memory_space<vmem>>
      %dma_wait3A_153 = arith.constant 0 : i32
      %dma_wait3A_154 = arith.constant 0 : i32
      %dma_wait3A_155 = tpu.memref_slice %arg2[%dma_wait3A_153, %dma_wait3A_154] : memref<10000x128xbf16, #tpu.memory_space<hbm>> -> memref<10000x128xbf16, #tpu.memory_space<hbm>>
      tpu.wait_indirect_dma semaphore(%arg16 : memref<!tpu.dma_semaphore, #tpu.memory_space<semaphore_mem>>) src(%dma_wait3A_155 : memref<10000x128xbf16, #tpu.memory_space<hbm>>) dst(%arg11 : memref<128x128xbf16, #tpu.memory_space<vmem>>)
      %dma_start3A_156 = arith.constant 0 : i32
      %dma_start3A_157 = tpu.memref_slice %arg10[%add3A_149, %dma_start3A_156] : memref<40x128xi32, #tpu.memory_space<vmem>> -> memref<1x128xi32, #tpu.memory_space<vmem>>
      %dma_start3A_158 = tpu.memref_squeeze %dma_start3A_157 : memref<1x128xi32, #tpu.memory_space<vmem>> -> memref<128xi32, #tpu.memory_space<vmem>>
      %dma_start3A_159 = arith.constant 0 : i32
      %dma_start3A_160 = arith.constant 0 : i32
      %dma_start3A_161 = tpu.memref_slice %arg15[%dma_start3A_159, %dma_start3A_160] : memref<10240x128xbf16, #tpu.memory_space<vmem_shared>> -> memref<10240x128xbf16, #tpu.memory_space<vmem_shared>>
      tpu.enqueue_indirect_dma source(%arg11 : memref<128x128xbf16, #tpu.memory_space<vmem>>) target(%dma_start3A_161 : memref<10240x128xbf16, #tpu.memory_space<vmem_shared>>) offsets(%dma_start3A_158 : memref<128xi32, #tpu.memory_space<vmem>>) semaphore(%arg20 : memref<!tpu.dma_semaphore, #tpu.memory_space<semaphore_mem>>) {add = true}
      %mul3A_162 = arith.constant 4 : i32
      %mul3A_163 = arith.muli %mul3A_162, %scan3A_145 : i32
      %add3A_164 = arith.constant 1 : i32
      %add3A_165 = arith.addi %mul3A_163, %add3A_164 : i32
      %dma_wait3A_166 = arith.constant 0 : i32
      %dma_wait3A_167 = tpu.memref_slice %arg9[%add3A_165, %dma_wait3A_166] : memref<40x128xi32, #tpu.memory_space<vmem>> -> memref<1x128xi32, #tpu.memory_space<vmem>>
      %dma_wait3A_168 = tpu.memref_squeeze %dma_wait3A_167 : memref<1x128xi32, #tpu.memory_space<vmem>> -> memref<128xi32, #tpu.memory_space<vmem>>
      %dma_wait3A_169 = arith.constant 0 : i32
      %dma_wait3A_170 = arith.constant 0 : i32
      %dma_wait3A_171 = tpu.memref_slice %arg2[%dma_wait3A_169, %dma_wait3A_170] : memref<10000x128xbf16, #tpu.memory_space<hbm>> -> memref<10000x128xbf16, #tpu.memory_space<hbm>>
      tpu.wait_indirect_dma semaphore(%arg17 : memref<!tpu.dma_semaphore, #tpu.memory_space<semaphore_mem>>) src(%dma_wait3A_171 : memref<10000x128xbf16, #tpu.memory_space<hbm>>) dst(%arg12 : memref<128x128xbf16, #tpu.memory_space<vmem>>)
      %dma_start3A_172 = arith.constant 0 : i32
      %dma_start3A_173 = tpu.memref_slice %arg10[%add3A_165, %dma_start3A_172] : memref<40x128xi32, #tpu.memory_space<vmem>> -> memref<1x128xi32, #tpu.memory_space<vmem>>
      %dma_start3A_174 = tpu.memref_squeeze %dma_start3A_173 : memref<1x128xi32, #tpu.memory_space<vmem>> -> memref<128xi32, #tpu.memory_space<vmem>>
      %dma_start3A_175 = arith.constant 0 : i32
      %dma_start3A_176 = arith.constant 0 : i32
      %dma_start3A_177 = tpu.memref_slice %arg15[%dma_start3A_175, %dma_start3A_176] : memref<10240x128xbf16, #tpu.memory_space<vmem_shared>> -> memref<10240x128xbf16, #tpu.memory_space<vmem_shared>>
      tpu.enqueue_indirect_dma source(%arg12 : memref<128x128xbf16, #tpu.memory_space<vmem>>) target(%dma_start3A_177 : memref<10240x128xbf16, #tpu.memory_space<vmem_shared>>) offsets(%dma_start3A_174 : memref<128xi32, #tpu.memory_space<vmem>>) semaphore(%arg21 : memref<!tpu.dma_semaphore, #tpu.memory_space<semaphore_mem>>) {add = true}
      %mul3A_178 = arith.constant 4 : i32
      %mul3A_179 = arith.muli %mul3A_178, %scan3A_145 : i32
      %add3A_180 = arith.constant 2 : i32
      %add3A_181 = arith.addi %mul3A_179, %add3A_180 : i32
      %dma_wait3A_182 = arith.constant 0 : i32
      %dma_wait3A_183 = tpu.memref_slice %arg9[%add3A_181, %dma_wait3A_182] : memref<40x128xi32, #tpu.memory_space<vmem>> -> memref<1x128xi32, #tpu.memory_space<vmem>>
      %dma_wait3A_184 = tpu.memref_squeeze %dma_wait3A_183 : memref<1x128xi32, #tpu.memory_space<vmem>> -> memref<128xi32, #tpu.memory_space<vmem>>
      %dma_wait3A_185 = arith.constant 0 : i32
      %dma_wait3A_186 = arith.constant 0 : i32
      %dma_wait3A_187 = tpu.memref_slice %arg2[%dma_wait3A_185, %dma_wait3A_186] : memref<10000x128xbf16, #tpu.memory_space<hbm>> -> memref<10000x128xbf16, #tpu.memory_space<hbm>>
      tpu.wait_indirect_dma semaphore(%arg18 : memref<!tpu.dma_semaphore, #tpu.memory_space<semaphore_mem>>) src(%dma_wait3A_187 : memref<10000x128xbf16, #tpu.memory_space<hbm>>) dst(%arg13 : memref<128x128xbf16, #tpu.memory_space<vmem>>)
      %dma_start3A_188 = arith.constant 0 : i32
      %dma_start3A_189 = tpu.memref_slice %arg10[%add3A_181, %dma_start3A_188] : memref<40x128xi32, #tpu.memory_space<vmem>> -> memref<1x128xi32, #tpu.memory_space<vmem>>
      %dma_start3A_190 = tpu.memref_squeeze %dma_start3A_189 : memref<1x128xi32, #tpu.memory_space<vmem>> -> memref<128xi32, #tpu.memory_space<vmem>>
      %dma_start3A_191 = arith.constant 0 : i32
      %dma_start3A_192 = arith.constant 0 : i32
      %dma_start3A_193 = tpu.memref_slice %arg15[%dma_start3A_191, %dma_start3A_192] : memref<10240x128xbf16, #tpu.memory_space<vmem_shared>> -> memref<10240x128xbf16, #tpu.memory_space<vmem_shared>>
      tpu.enqueue_indirect_dma source(%arg13 : memref<128x128xbf16, #tpu.memory_space<vmem>>) target(%dma_start3A_193 : memref<10240x128xbf16, #tpu.memory_space<vmem_shared>>) offsets(%dma_start3A_190 : memref<128xi32, #tpu.memory_space<vmem>>) semaphore(%arg22 : memref<!tpu.dma_semaphore, #tpu.memory_space<semaphore_mem>>) {add = true}
      %mul3A_194 = arith.constant 4 : i32
      %mul3A_195 = arith.muli %mul3A_194, %scan3A_145 : i32
      %add3A_196 = arith.constant 3 : i32
      %add3A_197 = arith.addi %mul3A_195, %add3A_196 : i32
      %dma_wait3A_198 = arith.constant 0 : i32
      %dma_wait3A_199 = tpu.memref_slice %arg9[%add3A_197, %dma_wait3A_198] : memref<40x128xi32, #tpu.memory_space<vmem>> -> memref<1x128xi32, #tpu.memory_space<vmem>>
      %dma_wait3A_200 = tpu.memref_squeeze %dma_wait3A_199 : memref<1x128xi32, #tpu.memory_space<vmem>> -> memref<128xi32, #tpu.memory_space<vmem>>
      %dma_wait3A_201 = arith.constant 0 : i32
      %dma_wait3A_202 = arith.constant 0 : i32
      %dma_wait3A_203 = tpu.memref_slice %arg2[%dma_wait3A_201, %dma_wait3A_202] : memref<10000x128xbf16, #tpu.memory_space<hbm>> -> memref<10000x128xbf16, #tpu.memory_space<hbm>>
      tpu.wait_indirect_dma semaphore(%arg19 : memref<!tpu.dma_semaphore, #tpu.memory_space<semaphore_mem>>) src(%dma_wait3A_203 : memref<10000x128xbf16, #tpu.memory_space<hbm>>) dst(%arg14 : memref<128x128xbf16, #tpu.memory_space<vmem>>)
      %dma_start3A_204 = arith.constant 0 : i32
      %dma_start3A_205 = tpu.memref_slice %arg10[%add3A_197, %dma_start3A_204] : memref<40x128xi32, #tpu.memory_space<vmem>> -> memref<1x128xi32, #tpu.memory_space<vmem>>
      %dma_start3A_206 = tpu.memref_squeeze %dma_start3A_205 : memref<1x128xi32, #tpu.memory_space<vmem>> -> memref<128xi32, #tpu.memory_space<vmem>>
      %dma_start3A_207 = arith.constant 0 : i32
      %dma_start3A_208 = arith.constant 0 : i32
      %dma_start3A_209 = tpu.memref_slice %arg15[%dma_start3A_207, %dma_start3A_208] : memref<10240x128xbf16, #tpu.memory_space<vmem_shared>> -> memref<10240x128xbf16, #tpu.memory_space<vmem_shared>>
      tpu.enqueue_indirect_dma source(%arg14 : memref<128x128xbf16, #tpu.memory_space<vmem>>) target(%dma_start3A_209 : memref<10240x128xbf16, #tpu.memory_space<vmem_shared>>) offsets(%dma_start3A_206 : memref<128xi32, #tpu.memory_space<vmem>>) semaphore(%arg23 : memref<!tpu.dma_semaphore, #tpu.memory_space<semaphore_mem>>) {add = true}
      %mul3A_210 = arith.constant 4 : i32
      %mul3A_211 = arith.muli %mul3A_210, %scan3A_145 : i32
      %add3A_212 = arith.constant 4 : i32
      %add3A_213 = arith.addi %mul3A_211, %add3A_212 : i32
      %add3A_214 = arith.constant 0 : i32
      %add3A_215 = arith.addi %add3A_213, %add3A_214 : i32
      %min3A = arith.constant 39 : i32
      %min3A_216 = arith.minsi %add3A_215, %min3A : i32
      %dma_wait3A_217 = arith.constant 0 : i32
      %dma_wait3A_218 = arith.constant 0 : i32
      %dma_wait3A_219 = tpu.memref_slice %arg10[%dma_wait3A_217, %dma_wait3A_218] : memref<40x128xi32, #tpu.memory_space<vmem>> -> memref<1x128xi32, #tpu.memory_space<vmem>>
      %dma_wait3A_220 = tpu.memref_squeeze %dma_wait3A_219 : memref<1x128xi32, #tpu.memory_space<vmem>> -> memref<128xi32, #tpu.memory_space<vmem>>
      %dma_wait3A_221 = arith.constant 0 : i32
      %dma_wait3A_222 = arith.constant 0 : i32
      %dma_wait3A_223 = tpu.memref_slice %arg15[%dma_wait3A_221, %dma_wait3A_222] : memref<10240x128xbf16, #tpu.memory_space<vmem_shared>> -> memref<10240x128xbf16, #tpu.memory_space<vmem_shared>>
      tpu.wait_indirect_dma semaphore(%arg20 : memref<!tpu.dma_semaphore, #tpu.memory_space<semaphore_mem>>) src(%arg11 : memref<128x128xbf16, #tpu.memory_space<vmem>>) dst(%dma_wait3A_223 : memref<10240x128xbf16, #tpu.memory_space<vmem_shared>>)
      %dma_start3A_224 = arith.constant 0 : i32
      %dma_start3A_225 = tpu.memref_slice %arg9[%min3A_216, %dma_start3A_224] : memref<40x128xi32, #tpu.memory_space<vmem>> -> memref<1x128xi32, #tpu.memory_space<vmem>>
      %dma_start3A_226 = tpu.memref_squeeze %dma_start3A_225 : memref<1x128xi32, #tpu.memory_space<vmem>> -> memref<128xi32, #tpu.memory_space<vmem>>
      %dma_start3A_227 = arith.constant 0 : i32
      %dma_start3A_228 = arith.constant 0 : i32
      %dma_start3A_229 = tpu.memref_slice %arg2[%dma_start3A_227, %dma_start3A_228] : memref<10000x128xbf16, #tpu.memory_space<hbm>> -> memref<10000x128xbf16, #tpu.memory_space<hbm>>
      tpu.enqueue_indirect_dma source(%dma_start3A_229 : memref<10000x128xbf16, #tpu.memory_space<hbm>>) target(%arg11 : memref<128x128xbf16, #tpu.memory_space<vmem>>) offsets(%dma_start3A_226 : memref<128xi32, #tpu.memory_space<vmem>>) semaphore(%arg16 : memref<!tpu.dma_semaphore, #tpu.memory_space<semaphore_mem>>)
      %mul3A_230 = arith.constant 4 : i32
      %mul3A_231 = arith.muli %mul3A_230, %scan3A_145 : i32
      %add3A_232 = arith.constant 4 : i32
      %add3A_233 = arith.addi %mul3A_231, %add3A_232 : i32
      %add3A_234 = arith.constant 1 : i32
      %add3A_235 = arith.addi %add3A_233, %add3A_234 : i32
      %min3A_236 = arith.constant 39 : i32
      %min3A_237 = arith.minsi %add3A_235, %min3A_236 : i32
      %dma_wait3A_238 = arith.constant 0 : i32
      %dma_wait3A_239 = arith.constant 0 : i32
      %dma_wait3A_240 = tpu.memref_slice %arg10[%dma_wait3A_238, %dma_wait3A_239] : memref<40x128xi32, #tpu.memory_space<vmem>> -> memref<1x128xi32, #tpu.memory_space<vmem>>
      %dma_wait3A_241 = tpu.memref_squeeze %dma_wait3A_240 : memref<1x128xi32, #tpu.memory_space<vmem>> -> memref<128xi32, #tpu.memory_space<vmem>>
      %dma_wait3A_242 = arith.constant 0 : i32
      %dma_wait3A_243 = arith.constant 0 : i32
      %dma_wait3A_244 = tpu.memref_slice %arg15[%dma_wait3A_242, %dma_wait3A_243] : memref<10240x128xbf16, #tpu.memory_space<vmem_shared>> -> memref<10240x128xbf16, #tpu.memory_space<vmem_shared>>
      tpu.wait_indirect_dma semaphore(%arg21 : memref<!tpu.dma_semaphore, #tpu.memory_space<semaphore_mem>>) src(%arg12 : memref<128x128xbf16, #tpu.memory_space<vmem>>) dst(%dma_wait3A_244 : memref<10240x128xbf16, #tpu.memory_space<vmem_shared>>)
      %dma_start3A_245 = arith.constant 0 : i32
      %dma_start3A_246 = tpu.memref_slice %arg9[%min3A_237, %dma_start3A_245] : memref<40x128xi32, #tpu.memory_space<vmem>> -> memref<1x128xi32, #tpu.memory_space<vmem>>
      %dma_start3A_247 = tpu.memref_squeeze %dma_start3A_246 : memref<1x128xi32, #tpu.memory_space<vmem>> -> memref<128xi32, #tpu.memory_space<vmem>>
      %dma_start3A_248 = arith.constant 0 : i32
      %dma_start3A_249 = arith.constant 0 : i32
      %dma_start3A_250 = tpu.memref_slice %arg2[%dma_start3A_248, %dma_start3A_249] : memref<10000x128xbf16, #tpu.memory_space<hbm>> -> memref<10000x128xbf16, #tpu.memory_space<hbm>>
      tpu.enqueue_indirect_dma source(%dma_start3A_250 : memref<10000x128xbf16, #tpu.memory_space<hbm>>) target(%arg12 : memref<128x128xbf16, #tpu.memory_space<vmem>>) offsets(%dma_start3A_247 : memref<128xi32, #tpu.memory_space<vmem>>) semaphore(%arg17 : memref<!tpu.dma_semaphore, #tpu.memory_space<semaphore_mem>>)
      %mul3A_251 = arith.constant 4 : i32
      %mul3A_252 = arith.muli %mul3A_251, %scan3A_145 : i32
      %add3A_253 = arith.constant 4 : i32
      %add3A_254 = arith.addi %mul3A_252, %add3A_253 : i32
      %add3A_255 = arith.constant 2 : i32
      %add3A_256 = arith.addi %add3A_254, %add3A_255 : i32
      %min3A_257 = arith.constant 39 : i32
      %min3A_258 = arith.minsi %add3A_256, %min3A_257 : i32
      %dma_wait3A_259 = arith.constant 0 : i32
      %dma_wait3A_260 = arith.constant 0 : i32
      %dma_wait3A_261 = tpu.memref_slice %arg10[%dma_wait3A_259, %dma_wait3A_260] : memref<40x128xi32, #tpu.memory_space<vmem>> -> memref<1x128xi32, #tpu.memory_space<vmem>>
      %dma_wait3A_262 = tpu.memref_squeeze %dma_wait3A_261 : memref<1x128xi32, #tpu.memory_space<vmem>> -> memref<128xi32, #tpu.memory_space<vmem>>
      %dma_wait3A_263 = arith.constant 0 : i32
      %dma_wait3A_264 = arith.constant 0 : i32
      %dma_wait3A_265 = tpu.memref_slice %arg15[%dma_wait3A_263, %dma_wait3A_264] : memref<10240x128xbf16, #tpu.memory_space<vmem_shared>> -> memref<10240x128xbf16, #tpu.memory_space<vmem_shared>>
      tpu.wait_indirect_dma semaphore(%arg22 : memref<!tpu.dma_semaphore, #tpu.memory_space<semaphore_mem>>) src(%arg13 : memref<128x128xbf16, #tpu.memory_space<vmem>>) dst(%dma_wait3A_265 : memref<10240x128xbf16, #tpu.memory_space<vmem_shared>>)
      %dma_start3A_266 = arith.constant 0 : i32
      %dma_start3A_267 = tpu.memref_slice %arg9[%min3A_258, %dma_start3A_266] : memref<40x128xi32, #tpu.memory_space<vmem>> -> memref<1x128xi32, #tpu.memory_space<vmem>>
      %dma_start3A_268 = tpu.memref_squeeze %dma_start3A_267 : memref<1x128xi32, #tpu.memory_space<vmem>> -> memref<128xi32, #tpu.memory_space<vmem>>
      %dma_start3A_269 = arith.constant 0 : i32
      %dma_start3A_270 = arith.constant 0 : i32
      %dma_start3A_271 = tpu.memref_slice %arg2[%dma_start3A_269, %dma_start3A_270] : memref<10000x128xbf16, #tpu.memory_space<hbm>> -> memref<10000x128xbf16, #tpu.memory_space<hbm>>
      tpu.enqueue_indirect_dma source(%dma_start3A_271 : memref<10000x128xbf16, #tpu.memory_space<hbm>>) target(%arg13 : memref<128x128xbf16, #tpu.memory_space<vmem>>) offsets(%dma_start3A_268 : memref<128xi32, #tpu.memory_space<vmem>>) semaphore(%arg18 : memref<!tpu.dma_semaphore, #tpu.memory_space<semaphore_mem>>)
      %mul3A_272 = arith.constant 4 : i32
      %mul3A_273 = arith.muli %mul3A_272, %scan3A_145 : i32
      %add3A_274 = arith.constant 4 : i32
      %add3A_275 = arith.addi %mul3A_273, %add3A_274 : i32
      %add3A_276 = arith.constant 3 : i32
      %add3A_277 = arith.addi %add3A_275, %add3A_276 : i32
      %min3A_278 = arith.constant 39 : i32
      %min3A_279 = arith.minsi %add3A_277, %min3A_278 : i32
      %dma_wait3A_280 = arith.constant 0 : i32
      %dma_wait3A_281 = arith.constant 0 : i32
      %dma_wait3A_282 = tpu.memref_slice %arg10[%dma_wait3A_280, %dma_wait3A_281] : memref<40x128xi32, #tpu.memory_space<vmem>> -> memref<1x128xi32, #tpu.memory_space<vmem>>
      %dma_wait3A_283 = tpu.memref_squeeze %dma_wait3A_282 : memref<1x128xi32, #tpu.memory_space<vmem>> -> memref<128xi32, #tpu.memory_space<vmem>>
      %dma_wait3A_284 = arith.constant 0 : i32
      %dma_wait3A_285 = arith.constant 0 : i32
      %dma_wait3A_286 = tpu.memref_slice %arg15[%dma_wait3A_284, %dma_wait3A_285] : memref<10240x128xbf16, #tpu.memory_space<vmem_shared>> -> memref<10240x128xbf16, #tpu.memory_space<vmem_shared>>
      tpu.wait_indirect_dma semaphore(%arg23 : memref<!tpu.dma_semaphore, #tpu.memory_space<semaphore_mem>>) src(%arg14 : memref<128x128xbf16, #tpu.memory_space<vmem>>) dst(%dma_wait3A_286 : memref<10240x128xbf16, #tpu.memory_space<vmem_shared>>)
      %dma_start3A_287 = arith.constant 0 : i32
      %dma_start3A_288 = tpu.memref_slice %arg9[%min3A_279, %dma_start3A_287] : memref<40x128xi32, #tpu.memory_space<vmem>> -> memref<1x128xi32, #tpu.memory_space<vmem>>
      %dma_start3A_289 = tpu.memref_squeeze %dma_start3A_288 : memref<1x128xi32, #tpu.memory_space<vmem>> -> memref<128xi32, #tpu.memory_space<vmem>>
      %dma_start3A_290 = arith.constant 0 : i32
      %dma_start3A_291 = arith.constant 0 : i32
      %dma_start3A_292 = tpu.memref_slice %arg2[%dma_start3A_290, %dma_start3A_291] : memref<10000x128xbf16, #tpu.memory_space<hbm>> -> memref<10000x128xbf16, #tpu.memory_space<hbm>>
      tpu.enqueue_indirect_dma source(%dma_start3A_292 : memref<10000x128xbf16, #tpu.memory_space<hbm>>) target(%arg14 : memref<128x128xbf16, #tpu.memory_space<vmem>>) offsets(%dma_start3A_289 : memref<128xi32, #tpu.memory_space<vmem>>) semaphore(%arg19 : memref<!tpu.dma_semaphore, #tpu.memory_space<semaphore_mem>>)
    }
    %scan3A_45 = arith.constant 10 : i32
    %dma_wait3A = arith.constant 39 : i32
    %dma_wait3A_46 = arith.constant 0 : i32
    %dma_wait3A_47 = tpu.memref_slice %arg9[%dma_wait3A, %dma_wait3A_46] : memref<40x128xi32, #tpu.memory_space<vmem>> -> memref<1x128xi32, #tpu.memory_space<vmem>>
    %dma_wait3A_48 = tpu.memref_squeeze %dma_wait3A_47 : memref<1x128xi32, #tpu.memory_space<vmem>> -> memref<128xi32, #tpu.memory_space<vmem>>
    %dma_wait3A_49 = arith.constant 0 : i32
    %dma_wait3A_50 = arith.constant 0 : i32
    %dma_wait3A_51 = tpu.memref_slice %arg2[%dma_wait3A_49, %dma_wait3A_50] : memref<10000x128xbf16, #tpu.memory_space<hbm>> -> memref<10000x128xbf16, #tpu.memory_space<hbm>>
    tpu.wait_indirect_dma semaphore(%arg16 : memref<!tpu.dma_semaphore, #tpu.memory_space<semaphore_mem>>) src(%dma_wait3A_51 : memref<10000x128xbf16, #tpu.memory_space<hbm>>) dst(%arg11 : memref<128x128xbf16, #tpu.memory_space<vmem>>)
    %dma_wait3A_52 = arith.constant 39 : i32
    %dma_wait3A_53 = arith.constant 0 : i32
    %dma_wait3A_54 = tpu.memref_slice %arg9[%dma_wait3A_52, %dma_wait3A_53] : memref<40x128xi32, #tpu.memory_space<vmem>> -> memref<1x128xi32, #tpu.memory_space<vmem>>
    %dma_wait3A_55 = tpu.memref_squeeze %dma_wait3A_54 : memref<1x128xi32, #tpu.memory_space<vmem>> -> memref<128xi32, #tpu.memory_space<vmem>>
    %dma_wait3A_56 = arith.constant 0 : i32
    %dma_wait3A_57 = arith.constant 0 : i32
    %dma_wait3A_58 = tpu.memref_slice %arg2[%dma_wait3A_56, %dma_wait3A_57] : memref<10000x128xbf16, #tpu.memory_space<hbm>> -> memref<10000x128xbf16, #tpu.memory_space<hbm>>
    tpu.wait_indirect_dma semaphore(%arg17 : memref<!tpu.dma_semaphore, #tpu.memory_space<semaphore_mem>>) src(%dma_wait3A_58 : memref<10000x128xbf16, #tpu.memory_space<hbm>>) dst(%arg12 : memref<128x128xbf16, #tpu.memory_space<vmem>>)
    %dma_wait3A_59 = arith.constant 39 : i32
    %dma_wait3A_60 = arith.constant 0 : i32
    %dma_wait3A_61 = tpu.memref_slice %arg9[%dma_wait3A_59, %dma_wait3A_60] : memref<40x128xi32, #tpu.memory_space<vmem>> -> memref<1x128xi32, #tpu.memory_space<vmem>>
    %dma_wait3A_62 = tpu.memref_squeeze %dma_wait3A_61 : memref<1x128xi32, #tpu.memory_space<vmem>> -> memref<128xi32, #tpu.memory_space<vmem>>
    %dma_wait3A_63 = arith.constant 0 : i32
    %dma_wait3A_64 = arith.constant 0 : i32
    %dma_wait3A_65 = tpu.memref_slice %arg2[%dma_wait3A_63, %dma_wait3A_64] : memref<10000x128xbf16, #tpu.memory_space<hbm>> -> memref<10000x128xbf16, #tpu.memory_space<hbm>>
    tpu.wait_indirect_dma semaphore(%arg18 : memref<!tpu.dma_semaphore, #tpu.memory_space<semaphore_mem>>) src(%dma_wait3A_65 : memref<10000x128xbf16, #tpu.memory_space<hbm>>) dst(%arg13 : memref<128x128xbf16, #tpu.memory_space<vmem>>)
    %dma_wait3A_66 = arith.constant 39 : i32
    %dma_wait3A_67 = arith.constant 0 : i32
    %dma_wait3A_68 = tpu.memref_slice %arg9[%dma_wait3A_66, %dma_wait3A_67] : memref<40x128xi32, #tpu.memory_space<vmem>> -> memref<1x128xi32, #tpu.memory_space<vmem>>
    %dma_wait3A_69 = tpu.memref_squeeze %dma_wait3A_68 : memref<1x128xi32, #tpu.memory_space<vmem>> -> memref<128xi32, #tpu.memory_space<vmem>>
    %dma_wait3A_70 = arith.constant 0 : i32
    %dma_wait3A_71 = arith.constant 0 : i32
    %dma_wait3A_72 = tpu.memref_slice %arg2[%dma_wait3A_70, %dma_wait3A_71] : memref<10000x128xbf16, #tpu.memory_space<hbm>> -> memref<10000x128xbf16, #tpu.memory_space<hbm>>
    tpu.wait_indirect_dma semaphore(%arg19 : memref<!tpu.dma_semaphore, #tpu.memory_space<semaphore_mem>>) src(%dma_wait3A_72 : memref<10000x128xbf16, #tpu.memory_space<hbm>>) dst(%arg14 : memref<128x128xbf16, #tpu.memory_space<vmem>>)
    "tpu.region"() ({
      %run_scoped3A = tpu.sem_alloc : memref<!tpu.dma_semaphore, #tpu.memory_space<semaphore_mem>>
      %dma_start3A_145 = arith.constant 40 : i32
      %dma_start3A_146 = arith.constant 0 : i32
      %dma_start3A_147 = tpu.memref_slice %arg4[%add3A, %dma_start3A_145, %dma_start3A_146] : memref<32x80x128xi32, #tpu.memory_space<hbm>> -> memref<1x40x128xi32, #tpu.memory_space<hbm>>
      %dma_start3A_148 = tpu.memref_squeeze %dma_start3A_147 : memref<1x40x128xi32, #tpu.memory_space<hbm>> -> memref<40x128xi32, #tpu.memory_space<hbm>>
      %dma_start3A_149 = arith.constant 40 : i32
      %dma_start3A_150 = arith.constant 0 : i32
      %dma_start3A_151 = tpu.memref_slice %arg4[%add3A, %dma_start3A_149, %dma_start3A_150] : memref<32x80x128xi32, #tpu.memory_space<hbm>> -> memref<1x40x128xi32, #tpu.memory_space<hbm>>
      %dma_start3A_152 = tpu.memref_squeeze %dma_start3A_151 : memref<1x40x128xi32, #tpu.memory_space<hbm>> -> memref<40x128xi32, #tpu.memory_space<hbm>>
      tpu.enqueue_dma source(%dma_start3A_152 : memref<40x128xi32, #tpu.memory_space<hbm>>) target(%arg9 : memref<40x128xi32, #tpu.memory_space<vmem>>) target_semaphore(%run_scoped3A : memref<!tpu.dma_semaphore, #tpu.memory_space<semaphore_mem>>)
      %dma_wait3A_153 = arith.constant 40 : i32
      %dma_wait3A_154 = arith.constant 0 : i32
      %dma_wait3A_155 = tpu.memref_slice %arg4[%add3A, %dma_wait3A_153, %dma_wait3A_154] : memref<32x80x128xi32, #tpu.memory_space<hbm>> -> memref<1x40x128xi32, #tpu.memory_space<hbm>>
      %dma_wait3A_156 = tpu.memref_squeeze %dma_wait3A_155 : memref<1x40x128xi32, #tpu.memory_space<hbm>> -> memref<40x128xi32, #tpu.memory_space<hbm>>
      %dma_wait3A_157 = arith.constant 40 : i32
      %dma_wait3A_158 = arith.constant 0 : i32
      %dma_wait3A_159 = tpu.memref_slice %arg4[%add3A, %dma_wait3A_157, %dma_wait3A_158] : memref<32x80x128xi32, #tpu.memory_space<hbm>> -> memref<1x40x128xi32, #tpu.memory_space<hbm>>
      %dma_wait3A_160 = tpu.memref_squeeze %dma_wait3A_159 : memref<1x40x128xi32, #tpu.memory_space<hbm>> -> memref<40x128xi32, #tpu.memory_space<hbm>>
      tpu.wait_dma2 semaphore(%run_scoped3A : memref<!tpu.dma_semaphore, #tpu.memory_space<semaphore_mem>>) src(%dma_wait3A_160 : memref<40x128xi32, #tpu.memory_space<hbm>>) dst(%arg9 : memref<40x128xi32, #tpu.memory_space<vmem>>)
      tpu.yield
    }) : () -> ()
    "tpu.region"() ({
      %run_scoped3A = tpu.sem_alloc : memref<!tpu.dma_semaphore, #tpu.memory_space<semaphore_mem>>
      %dma_start3A_145 = arith.constant 40 : i32
      %dma_start3A_146 = arith.constant 0 : i32
      %dma_start3A_147 = tpu.memref_slice %arg5[%add3A, %dma_start3A_145, %dma_start3A_146] : memref<32x80x128xi32, #tpu.memory_space<hbm>> -> memref<1x40x128xi32, #tpu.memory_space<hbm>>
      %dma_start3A_148 = tpu.memref_squeeze %dma_start3A_147 : memref<1x40x128xi32, #tpu.memory_space<hbm>> -> memref<40x128xi32, #tpu.memory_space<hbm>>
      %dma_start3A_149 = arith.constant 40 : i32
      %dma_start3A_150 = arith.constant 0 : i32
      %dma_start3A_151 = tpu.memref_slice %arg5[%add3A, %dma_start3A_149, %dma_start3A_150] : memref<32x80x128xi32, #tpu.memory_space<hbm>> -> memref<1x40x128xi32, #tpu.memory_space<hbm>>
      %dma_start3A_152 = tpu.memref_squeeze %dma_start3A_151 : memref<1x40x128xi32, #tpu.memory_space<hbm>> -> memref<40x128xi32, #tpu.memory_space<hbm>>
      tpu.enqueue_dma source(%dma_start3A_152 : memref<40x128xi32, #tpu.memory_space<hbm>>) target(%arg10 : memref<40x128xi32, #tpu.memory_space<vmem>>) target_semaphore(%run_scoped3A : memref<!tpu.dma_semaphore, #tpu.memory_space<semaphore_mem>>)
      %dma_wait3A_153 = arith.constant 40 : i32
      %dma_wait3A_154 = arith.constant 0 : i32
      %dma_wait3A_155 = tpu.memref_slice %arg5[%add3A, %dma_wait3A_153, %dma_wait3A_154] : memref<32x80x128xi32, #tpu.memory_space<hbm>> -> memref<1x40x128xi32, #tpu.memory_space<hbm>>
      %dma_wait3A_156 = tpu.memref_squeeze %dma_wait3A_155 : memref<1x40x128xi32, #tpu.memory_space<hbm>> -> memref<40x128xi32, #tpu.memory_space<hbm>>
      %dma_wait3A_157 = arith.constant 40 : i32
      %dma_wait3A_158 = arith.constant 0 : i32
      %dma_wait3A_159 = tpu.memref_slice %arg5[%add3A, %dma_wait3A_157, %dma_wait3A_158] : memref<32x80x128xi32, #tpu.memory_space<hbm>> -> memref<1x40x128xi32, #tpu.memory_space<hbm>>
      %dma_wait3A_160 = tpu.memref_squeeze %dma_wait3A_159 : memref<1x40x128xi32, #tpu.memory_space<hbm>> -> memref<40x128xi32, #tpu.memory_space<hbm>>
      tpu.wait_dma2 semaphore(%run_scoped3A : memref<!tpu.dma_semaphore, #tpu.memory_space<semaphore_mem>>) src(%dma_wait3A_160 : memref<40x128xi32, #tpu.memory_space<hbm>>) dst(%arg10 : memref<40x128xi32, #tpu.memory_space<vmem>>)
      tpu.yield
    }) : () -> ()
    %dma_start3A_73 = arith.constant 0 : i32
    %dma_start3A_74 = arith.constant 0 : i32
    %dma_start3A_75 = tpu.memref_slice %arg9[%dma_start3A_73, %dma_start3A_74] : memref<40x128xi32, #tpu.memory_space<vmem>> -> memref<1x128xi32, #tpu.memory_space<vmem>>
    %dma_start3A_76 = tpu.memref_squeeze %dma_start3A_75 : memref<1x128xi32, #tpu.memory_space<vmem>> -> memref<128xi32, #tpu.memory_space<vmem>>
    %dma_start3A_77 = arith.constant 0 : i32
    %dma_start3A_78 = arith.constant 0 : i32
    %dma_start3A_79 = tpu.memref_slice %arg2[%dma_start3A_77, %dma_start3A_78] : memref<10000x128xbf16, #tpu.memory_space<hbm>> -> memref<10000x128xbf16, #tpu.memory_space<hbm>>
    tpu.enqueue_indirect_dma source(%dma_start3A_79 : memref<10000x128xbf16, #tpu.memory_space<hbm>>) target(%arg11 : memref<128x128xbf16, #tpu.memory_space<vmem>>) offsets(%dma_start3A_76 : memref<128xi32, #tpu.memory_space<vmem>>) semaphore(%arg16 : memref<!tpu.dma_semaphore, #tpu.memory_space<semaphore_mem>>)
    %dma_start3A_80 = arith.constant 1 : i32
    %dma_start3A_81 = arith.constant 0 : i32
    %dma_start3A_82 = tpu.memref_slice %arg9[%dma_start3A_80, %dma_start3A_81] : memref<40x128xi32, #tpu.memory_space<vmem>> -> memref<1x128xi32, #tpu.memory_space<vmem>>
    %dma_start3A_83 = tpu.memref_squeeze %dma_start3A_82 : memref<1x128xi32, #tpu.memory_space<vmem>> -> memref<128xi32, #tpu.memory_space<vmem>>
    %dma_start3A_84 = arith.constant 0 : i32
    %dma_start3A_85 = arith.constant 0 : i32
    %dma_start3A_86 = tpu.memref_slice %arg2[%dma_start3A_84, %dma_start3A_85] : memref<10000x128xbf16, #tpu.memory_space<hbm>> -> memref<10000x128xbf16, #tpu.memory_space<hbm>>
    tpu.enqueue_indirect_dma source(%dma_start3A_86 : memref<10000x128xbf16, #tpu.memory_space<hbm>>) target(%arg12 : memref<128x128xbf16, #tpu.memory_space<vmem>>) offsets(%dma_start3A_83 : memref<128xi32, #tpu.memory_space<vmem>>) semaphore(%arg17 : memref<!tpu.dma_semaphore, #tpu.memory_space<semaphore_mem>>)
    %dma_start3A_87 = arith.constant 2 : i32
    %dma_start3A_88 = arith.constant 0 : i32
    %dma_start3A_89 = tpu.memref_slice %arg9[%dma_start3A_87, %dma_start3A_88] : memref<40x128xi32, #tpu.memory_space<vmem>> -> memref<1x128xi32, #tpu.memory_space<vmem>>
    %dma_start3A_90 = tpu.memref_squeeze %dma_start3A_89 : memref<1x128xi32, #tpu.memory_space<vmem>> -> memref<128xi32, #tpu.memory_space<vmem>>
    %dma_start3A_91 = arith.constant 0 : i32
    %dma_start3A_92 = arith.constant 0 : i32
    %dma_start3A_93 = tpu.memref_slice %arg2[%dma_start3A_91, %dma_start3A_92] : memref<10000x128xbf16, #tpu.memory_space<hbm>> -> memref<10000x128xbf16, #tpu.memory_space<hbm>>
    tpu.enqueue_indirect_dma source(%dma_start3A_93 : memref<10000x128xbf16, #tpu.memory_space<hbm>>) target(%arg13 : memref<128x128xbf16, #tpu.memory_space<vmem>>) offsets(%dma_start3A_90 : memref<128xi32, #tpu.memory_space<vmem>>) semaphore(%arg18 : memref<!tpu.dma_semaphore, #tpu.memory_space<semaphore_mem>>)
    %dma_start3A_94 = arith.constant 3 : i32
    %dma_start3A_95 = arith.constant 0 : i32
    %dma_start3A_96 = tpu.memref_slice %arg9[%dma_start3A_94, %dma_start3A_95] : memref<40x128xi32, #tpu.memory_space<vmem>> -> memref<1x128xi32, #tpu.memory_space<vmem>>
    %dma_start3A_97 = tpu.memref_squeeze %dma_start3A_96 : memref<1x128xi32, #tpu.memory_space<vmem>> -> memref<128xi32, #tpu.memory_space<vmem>>
    %dma_start3A_98 = arith.constant 0 : i32
    %dma_start3A_99 = arith.constant 0 : i32
    %dma_start3A_100 = tpu.memref_slice %arg2[%dma_start3A_98, %dma_start3A_99] : memref<10000x128xbf16, #tpu.memory_space<hbm>> -> memref<10000x128xbf16, #tpu.memory_space<hbm>>
    tpu.enqueue_indirect_dma source(%dma_start3A_100 : memref<10000x128xbf16, #tpu.memory_space<hbm>>) target(%arg14 : memref<128x128xbf16, #tpu.memory_space<vmem>>) offsets(%dma_start3A_97 : memref<128xi32, #tpu.memory_space<vmem>>) semaphore(%arg19 : memref<!tpu.dma_semaphore, #tpu.memory_space<semaphore_mem>>)
    %scan3A_101 = arith.constant 0 : i32
    %scan3A_102 = arith.constant 10 : i32
    %scan3A_103 = arith.addi %scan3A_101, %scan3A_102 : i32
    %scan3A_104 = arith.constant 1 : i32
    scf.for %scan3A_145 = %scan3A_101 to %scan3A_103 step %scan3A_104  : i32 {
      %mul3A_146 = arith.constant 4 : i32
      %mul3A_147 = arith.muli %mul3A_146, %scan3A_145 : i32
      %add3A_148 = arith.constant 0 : i32
      %add3A_149 = arith.addi %mul3A_147, %add3A_148 : i32
      %dma_wait3A_150 = arith.constant 0 : i32
      %dma_wait3A_151 = tpu.memref_slice %arg9[%add3A_149, %dma_wait3A_150] : memref<40x128xi32, #tpu.memory_space<vmem>> -> memref<1x128xi32, #tpu.memory_space<vmem>>
      %dma_wait3A_152 = tpu.memref_squeeze %dma_wait3A_151 : memref<1x128xi32, #tpu.memory_space<vmem>> -> memref<128xi32, #tpu.memory_space<vmem>>
      %dma_wait3A_153 = arith.constant 0 : i32
      %dma_wait3A_154 = arith.constant 0 : i32
      %dma_wait3A_155 = tpu.memref_slice %arg2[%dma_wait3A_153, %dma_wait3A_154] : memref<10000x128xbf16, #tpu.memory_space<hbm>> -> memref<10000x128xbf16, #tpu.memory_space<hbm>>
      tpu.wait_indirect_dma semaphore(%arg16 : memref<!tpu.dma_semaphore, #tpu.memory_space<semaphore_mem>>) src(%dma_wait3A_155 : memref<10000x128xbf16, #tpu.memory_space<hbm>>) dst(%arg11 : memref<128x128xbf16, #tpu.memory_space<vmem>>)
      %dma_start3A_156 = arith.constant 0 : i32
      %dma_start3A_157 = tpu.memref_slice %arg10[%add3A_149, %dma_start3A_156] : memref<40x128xi32, #tpu.memory_space<vmem>> -> memref<1x128xi32, #tpu.memory_space<vmem>>
      %dma_start3A_158 = tpu.memref_squeeze %dma_start3A_157 : memref<1x128xi32, #tpu.memory_space<vmem>> -> memref<128xi32, #tpu.memory_space<vmem>>
      %dma_start3A_159 = arith.constant 0 : i32
      %dma_start3A_160 = arith.constant 0 : i32
      %dma_start3A_161 = tpu.memref_slice %arg15[%dma_start3A_159, %dma_start3A_160] : memref<10240x128xbf16, #tpu.memory_space<vmem_shared>> -> memref<10240x128xbf16, #tpu.memory_space<vmem_shared>>
      tpu.enqueue_indirect_dma source(%arg11 : memref<128x128xbf16, #tpu.memory_space<vmem>>) target(%dma_start3A_161 : memref<10240x128xbf16, #tpu.memory_space<vmem_shared>>) offsets(%dma_start3A_158 : memref<128xi32, #tpu.memory_space<vmem>>) semaphore(%arg20 : memref<!tpu.dma_semaphore, #tpu.memory_space<semaphore_mem>>) {add = true}
      %mul3A_162 = arith.constant 4 : i32
      %mul3A_163 = arith.muli %mul3A_162, %scan3A_145 : i32
      %add3A_164 = arith.constant 1 : i32
      %add3A_165 = arith.addi %mul3A_163, %add3A_164 : i32
      %dma_wait3A_166 = arith.constant 0 : i32
      %dma_wait3A_167 = tpu.memref_slice %arg9[%add3A_165, %dma_wait3A_166] : memref<40x128xi32, #tpu.memory_space<vmem>> -> memref<1x128xi32, #tpu.memory_space<vmem>>
      %dma_wait3A_168 = tpu.memref_squeeze %dma_wait3A_167 : memref<1x128xi32, #tpu.memory_space<vmem>> -> memref<128xi32, #tpu.memory_space<vmem>>
      %dma_wait3A_169 = arith.constant 0 : i32
      %dma_wait3A_170 = arith.constant 0 : i32
      %dma_wait3A_171 = tpu.memref_slice %arg2[%dma_wait3A_169, %dma_wait3A_170] : memref<10000x128xbf16, #tpu.memory_space<hbm>> -> memref<10000x128xbf16, #tpu.memory_space<hbm>>
      tpu.wait_indirect_dma semaphore(%arg17 : memref<!tpu.dma_semaphore, #tpu.memory_space<semaphore_mem>>) src(%dma_wait3A_171 : memref<10000x128xbf16, #tpu.memory_space<hbm>>) dst(%arg12 : memref<128x128xbf16, #tpu.memory_space<vmem>>)
      %dma_start3A_172 = arith.constant 0 : i32
      %dma_start3A_173 = tpu.memref_slice %arg10[%add3A_165, %dma_start3A_172] : memref<40x128xi32, #tpu.memory_space<vmem>> -> memref<1x128xi32, #tpu.memory_space<vmem>>
      %dma_start3A_174 = tpu.memref_squeeze %dma_start3A_173 : memref<1x128xi32, #tpu.memory_space<vmem>> -> memref<128xi32, #tpu.memory_space<vmem>>
      %dma_start3A_175 = arith.constant 0 : i32
      %dma_start3A_176 = arith.constant 0 : i32
      %dma_start3A_177 = tpu.memref_slice %arg15[%dma_start3A_175, %dma_start3A_176] : memref<10240x128xbf16, #tpu.memory_space<vmem_shared>> -> memref<10240x128xbf16, #tpu.memory_space<vmem_shared>>
      tpu.enqueue_indirect_dma source(%arg12 : memref<128x128xbf16, #tpu.memory_space<vmem>>) target(%dma_start3A_177 : memref<10240x128xbf16, #tpu.memory_space<vmem_shared>>) offsets(%dma_start3A_174 : memref<128xi32, #tpu.memory_space<vmem>>) semaphore(%arg21 : memref<!tpu.dma_semaphore, #tpu.memory_space<semaphore_mem>>) {add = true}
      %mul3A_178 = arith.constant 4 : i32
      %mul3A_179 = arith.muli %mul3A_178, %scan3A_145 : i32
      %add3A_180 = arith.constant 2 : i32
      %add3A_181 = arith.addi %mul3A_179, %add3A_180 : i32
      %dma_wait3A_182 = arith.constant 0 : i32
      %dma_wait3A_183 = tpu.memref_slice %arg9[%add3A_181, %dma_wait3A_182] : memref<40x128xi32, #tpu.memory_space<vmem>> -> memref<1x128xi32, #tpu.memory_space<vmem>>
      %dma_wait3A_184 = tpu.memref_squeeze %dma_wait3A_183 : memref<1x128xi32, #tpu.memory_space<vmem>> -> memref<128xi32, #tpu.memory_space<vmem>>
      %dma_wait3A_185 = arith.constant 0 : i32
      %dma_wait3A_186 = arith.constant 0 : i32
      %dma_wait3A_187 = tpu.memref_slice %arg2[%dma_wait3A_185, %dma_wait3A_186] : memref<10000x128xbf16, #tpu.memory_space<hbm>> -> memref<10000x128xbf16, #tpu.memory_space<hbm>>
      tpu.wait_indirect_dma semaphore(%arg18 : memref<!tpu.dma_semaphore, #tpu.memory_space<semaphore_mem>>) src(%dma_wait3A_187 : memref<10000x128xbf16, #tpu.memory_space<hbm>>) dst(%arg13 : memref<128x128xbf16, #tpu.memory_space<vmem>>)
      %dma_start3A_188 = arith.constant 0 : i32
      %dma_start3A_189 = tpu.memref_slice %arg10[%add3A_181, %dma_start3A_188] : memref<40x128xi32, #tpu.memory_space<vmem>> -> memref<1x128xi32, #tpu.memory_space<vmem>>
      %dma_start3A_190 = tpu.memref_squeeze %dma_start3A_189 : memref<1x128xi32, #tpu.memory_space<vmem>> -> memref<128xi32, #tpu.memory_space<vmem>>
      %dma_start3A_191 = arith.constant 0 : i32
      %dma_start3A_192 = arith.constant 0 : i32
      %dma_start3A_193 = tpu.memref_slice %arg15[%dma_start3A_191, %dma_start3A_192] : memref<10240x128xbf16, #tpu.memory_space<vmem_shared>> -> memref<10240x128xbf16, #tpu.memory_space<vmem_shared>>
      tpu.enqueue_indirect_dma source(%arg13 : memref<128x128xbf16, #tpu.memory_space<vmem>>) target(%dma_start3A_193 : memref<10240x128xbf16, #tpu.memory_space<vmem_shared>>) offsets(%dma_start3A_190 : memref<128xi32, #tpu.memory_space<vmem>>) semaphore(%arg22 : memref<!tpu.dma_semaphore, #tpu.memory_space<semaphore_mem>>) {add = true}
      %mul3A_194 = arith.constant 4 : i32
      %mul3A_195 = arith.muli %mul3A_194, %scan3A_145 : i32
      %add3A_196 = arith.constant 3 : i32
      %add3A_197 = arith.addi %mul3A_195, %add3A_196 : i32
      %dma_wait3A_198 = arith.constant 0 : i32
      %dma_wait3A_199 = tpu.memref_slice %arg9[%add3A_197, %dma_wait3A_198] : memref<40x128xi32, #tpu.memory_space<vmem>> -> memref<1x128xi32, #tpu.memory_space<vmem>>
      %dma_wait3A_200 = tpu.memref_squeeze %dma_wait3A_199 : memref<1x128xi32, #tpu.memory_space<vmem>> -> memref<128xi32, #tpu.memory_space<vmem>>
      %dma_wait3A_201 = arith.constant 0 : i32
      %dma_wait3A_202 = arith.constant 0 : i32
      %dma_wait3A_203 = tpu.memref_slice %arg2[%dma_wait3A_201, %dma_wait3A_202] : memref<10000x128xbf16, #tpu.memory_space<hbm>> -> memref<10000x128xbf16, #tpu.memory_space<hbm>>
      tpu.wait_indirect_dma semaphore(%arg19 : memref<!tpu.dma_semaphore, #tpu.memory_space<semaphore_mem>>) src(%dma_wait3A_203 : memref<10000x128xbf16, #tpu.memory_space<hbm>>) dst(%arg14 : memref<128x128xbf16, #tpu.memory_space<vmem>>)
      %dma_start3A_204 = arith.constant 0 : i32
      %dma_start3A_205 = tpu.memref_slice %arg10[%add3A_197, %dma_start3A_204] : memref<40x128xi32, #tpu.memory_space<vmem>> -> memref<1x128xi32, #tpu.memory_space<vmem>>
      %dma_start3A_206 = tpu.memref_squeeze %dma_start3A_205 : memref<1x128xi32, #tpu.memory_space<vmem>> -> memref<128xi32, #tpu.memory_space<vmem>>
      %dma_start3A_207 = arith.constant 0 : i32
      %dma_start3A_208 = arith.constant 0 : i32
      %dma_start3A_209 = tpu.memref_slice %arg15[%dma_start3A_207, %dma_start3A_208] : memref<10240x128xbf16, #tpu.memory_space<vmem_shared>> -> memref<10240x128xbf16, #tpu.memory_space<vmem_shared>>
      tpu.enqueue_indirect_dma source(%arg14 : memref<128x128xbf16, #tpu.memory_space<vmem>>) target(%dma_start3A_209 : memref<10240x128xbf16, #tpu.memory_space<vmem_shared>>) offsets(%dma_start3A_206 : memref<128xi32, #tpu.memory_space<vmem>>) semaphore(%arg23 : memref<!tpu.dma_semaphore, #tpu.memory_space<semaphore_mem>>) {add = true}
      %mul3A_210 = arith.constant 4 : i32
      %mul3A_211 = arith.muli %mul3A_210, %scan3A_145 : i32
      %add3A_212 = arith.constant 4 : i32
      %add3A_213 = arith.addi %mul3A_211, %add3A_212 : i32
      %add3A_214 = arith.constant 0 : i32
      %add3A_215 = arith.addi %add3A_213, %add3A_214 : i32
      %min3A = arith.constant 39 : i32
      %min3A_216 = arith.minsi %add3A_215, %min3A : i32
      %dma_wait3A_217 = arith.constant 0 : i32
      %dma_wait3A_218 = arith.constant 0 : i32
      %dma_wait3A_219 = tpu.memref_slice %arg10[%dma_wait3A_217, %dma_wait3A_218] : memref<40x128xi32, #tpu.memory_space<vmem>> -> memref<1x128xi32, #tpu.memory_space<vmem>>
      %dma_wait3A_220 = tpu.memref_squeeze %dma_wait3A_219 : memref<1x128xi32, #tpu.memory_space<vmem>> -> memref<128xi32, #tpu.memory_space<vmem>>
      %dma_wait3A_221 = arith.constant 0 : i32
      %dma_wait3A_222 = arith.constant 0 : i32
      %dma_wait3A_223 = tpu.memref_slice %arg15[%dma_wait3A_221, %dma_wait3A_222] : memref<10240x128xbf16, #tpu.memory_space<vmem_shared>> -> memref<10240x128xbf16, #tpu.memory_space<vmem_shared>>
      tpu.wait_indirect_dma semaphore(%arg20 : memref<!tpu.dma_semaphore, #tpu.memory_space<semaphore_mem>>) src(%arg11 : memref<128x128xbf16, #tpu.memory_space<vmem>>) dst(%dma_wait3A_223 : memref<10240x128xbf16, #tpu.memory_space<vmem_shared>>)
      %dma_start3A_224 = arith.constant 0 : i32
      %dma_start3A_225 = tpu.memref_slice %arg9[%min3A_216, %dma_start3A_224] : memref<40x128xi32, #tpu.memory_space<vmem>> -> memref<1x128xi32, #tpu.memory_space<vmem>>
      %dma_start3A_226 = tpu.memref_squeeze %dma_start3A_225 : memref<1x128xi32, #tpu.memory_space<vmem>> -> memref<128xi32, #tpu.memory_space<vmem>>
      %dma_start3A_227 = arith.constant 0 : i32
      %dma_start3A_228 = arith.constant 0 : i32
      %dma_start3A_229 = tpu.memref_slice %arg2[%dma_start3A_227, %dma_start3A_228] : memref<10000x128xbf16, #tpu.memory_space<hbm>> -> memref<10000x128xbf16, #tpu.memory_space<hbm>>
      tpu.enqueue_indirect_dma source(%dma_start3A_229 : memref<10000x128xbf16, #tpu.memory_space<hbm>>) target(%arg11 : memref<128x128xbf16, #tpu.memory_space<vmem>>) offsets(%dma_start3A_226 : memref<128xi32, #tpu.memory_space<vmem>>) semaphore(%arg16 : memref<!tpu.dma_semaphore, #tpu.memory_space<semaphore_mem>>)
      %mul3A_230 = arith.constant 4 : i32
      %mul3A_231 = arith.muli %mul3A_230, %scan3A_145 : i32
      %add3A_232 = arith.constant 4 : i32
      %add3A_233 = arith.addi %mul3A_231, %add3A_232 : i32
      %add3A_234 = arith.constant 1 : i32
      %add3A_235 = arith.addi %add3A_233, %add3A_234 : i32
      %min3A_236 = arith.constant 39 : i32
      %min3A_237 = arith.minsi %add3A_235, %min3A_236 : i32
      %dma_wait3A_238 = arith.constant 0 : i32
      %dma_wait3A_239 = arith.constant 0 : i32
      %dma_wait3A_240 = tpu.memref_slice %arg10[%dma_wait3A_238, %dma_wait3A_239] : memref<40x128xi32, #tpu.memory_space<vmem>> -> memref<1x128xi32, #tpu.memory_space<vmem>>
      %dma_wait3A_241 = tpu.memref_squeeze %dma_wait3A_240 : memref<1x128xi32, #tpu.memory_space<vmem>> -> memref<128xi32, #tpu.memory_space<vmem>>
      %dma_wait3A_242 = arith.constant 0 : i32
      %dma_wait3A_243 = arith.constant 0 : i32
      %dma_wait3A_244 = tpu.memref_slice %arg15[%dma_wait3A_242, %dma_wait3A_243] : memref<10240x128xbf16, #tpu.memory_space<vmem_shared>> -> memref<10240x128xbf16, #tpu.memory_space<vmem_shared>>
      tpu.wait_indirect_dma semaphore(%arg21 : memref<!tpu.dma_semaphore, #tpu.memory_space<semaphore_mem>>) src(%arg12 : memref<128x128xbf16, #tpu.memory_space<vmem>>) dst(%dma_wait3A_244 : memref<10240x128xbf16, #tpu.memory_space<vmem_shared>>)
      %dma_start3A_245 = arith.constant 0 : i32
      %dma_start3A_246 = tpu.memref_slice %arg9[%min3A_237, %dma_start3A_245] : memref<40x128xi32, #tpu.memory_space<vmem>> -> memref<1x128xi32, #tpu.memory_space<vmem>>
      %dma_start3A_247 = tpu.memref_squeeze %dma_start3A_246 : memref<1x128xi32, #tpu.memory_space<vmem>> -> memref<128xi32, #tpu.memory_space<vmem>>
      %dma_start3A_248 = arith.constant 0 : i32
      %dma_start3A_249 = arith.constant 0 : i32
      %dma_start3A_250 = tpu.memref_slice %arg2[%dma_start3A_248, %dma_start3A_249] : memref<10000x128xbf16, #tpu.memory_space<hbm>> -> memref<10000x128xbf16, #tpu.memory_space<hbm>>
      tpu.enqueue_indirect_dma source(%dma_start3A_250 : memref<10000x128xbf16, #tpu.memory_space<hbm>>) target(%arg12 : memref<128x128xbf16, #tpu.memory_space<vmem>>) offsets(%dma_start3A_247 : memref<128xi32, #tpu.memory_space<vmem>>) semaphore(%arg17 : memref<!tpu.dma_semaphore, #tpu.memory_space<semaphore_mem>>)
      %mul3A_251 = arith.constant 4 : i32
      %mul3A_252 = arith.muli %mul3A_251, %scan3A_145 : i32
      %add3A_253 = arith.constant 4 : i32
      %add3A_254 = arith.addi %mul3A_252, %add3A_253 : i32
      %add3A_255 = arith.constant 2 : i32
      %add3A_256 = arith.addi %add3A_254, %add3A_255 : i32
      %min3A_257 = arith.constant 39 : i32
      %min3A_258 = arith.minsi %add3A_256, %min3A_257 : i32
      %dma_wait3A_259 = arith.constant 0 : i32
      %dma_wait3A_260 = arith.constant 0 : i32
      %dma_wait3A_261 = tpu.memref_slice %arg10[%dma_wait3A_259, %dma_wait3A_260] : memref<40x128xi32, #tpu.memory_space<vmem>> -> memref<1x128xi32, #tpu.memory_space<vmem>>
      %dma_wait3A_262 = tpu.memref_squeeze %dma_wait3A_261 : memref<1x128xi32, #tpu.memory_space<vmem>> -> memref<128xi32, #tpu.memory_space<vmem>>
      %dma_wait3A_263 = arith.constant 0 : i32
      %dma_wait3A_264 = arith.constant 0 : i32
      %dma_wait3A_265 = tpu.memref_slice %arg15[%dma_wait3A_263, %dma_wait3A_264] : memref<10240x128xbf16, #tpu.memory_space<vmem_shared>> -> memref<10240x128xbf16, #tpu.memory_space<vmem_shared>>
      tpu.wait_indirect_dma semaphore(%arg22 : memref<!tpu.dma_semaphore, #tpu.memory_space<semaphore_mem>>) src(%arg13 : memref<128x128xbf16, #tpu.memory_space<vmem>>) dst(%dma_wait3A_265 : memref<10240x128xbf16, #tpu.memory_space<vmem_shared>>)
      %dma_start3A_266 = arith.constant 0 : i32
      %dma_start3A_267 = tpu.memref_slice %arg9[%min3A_258, %dma_start3A_266] : memref<40x128xi32, #tpu.memory_space<vmem>> -> memref<1x128xi32, #tpu.memory_space<vmem>>
      %dma_start3A_268 = tpu.memref_squeeze %dma_start3A_267 : memref<1x128xi32, #tpu.memory_space<vmem>> -> memref<128xi32, #tpu.memory_space<vmem>>
      %dma_start3A_269 = arith.constant 0 : i32
      %dma_start3A_270 = arith.constant 0 : i32
      %dma_start3A_271 = tpu.memref_slice %arg2[%dma_start3A_269, %dma_start3A_270] : memref<10000x128xbf16, #tpu.memory_space<hbm>> -> memref<10000x128xbf16, #tpu.memory_space<hbm>>
      tpu.enqueue_indirect_dma source(%dma_start3A_271 : memref<10000x128xbf16, #tpu.memory_space<hbm>>) target(%arg13 : memref<128x128xbf16, #tpu.memory_space<vmem>>) offsets(%dma_start3A_268 : memref<128xi32, #tpu.memory_space<vmem>>) semaphore(%arg18 : memref<!tpu.dma_semaphore, #tpu.memory_space<semaphore_mem>>)
      %mul3A_272 = arith.constant 4 : i32
      %mul3A_273 = arith.muli %mul3A_272, %scan3A_145 : i32
      %add3A_274 = arith.constant 4 : i32
      %add3A_275 = arith.addi %mul3A_273, %add3A_274 : i32
      %add3A_276 = arith.constant 3 : i32
      %add3A_277 = arith.addi %add3A_275, %add3A_276 : i32
      %min3A_278 = arith.constant 39 : i32
      %min3A_279 = arith.minsi %add3A_277, %min3A_278 : i32
      %dma_wait3A_280 = arith.constant 0 : i32
      %dma_wait3A_281 = arith.constant 0 : i32
      %dma_wait3A_282 = tpu.memref_slice %arg10[%dma_wait3A_280, %dma_wait3A_281] : memref<40x128xi32, #tpu.memory_space<vmem>> -> memref<1x128xi32, #tpu.memory_space<vmem>>
      %dma_wait3A_283 = tpu.memref_squeeze %dma_wait3A_282 : memref<1x128xi32, #tpu.memory_space<vmem>> -> memref<128xi32, #tpu.memory_space<vmem>>
      %dma_wait3A_284 = arith.constant 0 : i32
      %dma_wait3A_285 = arith.constant 0 : i32
      %dma_wait3A_286 = tpu.memref_slice %arg15[%dma_wait3A_284, %dma_wait3A_285] : memref<10240x128xbf16, #tpu.memory_space<vmem_shared>> -> memref<10240x128xbf16, #tpu.memory_space<vmem_shared>>
      tpu.wait_indirect_dma semaphore(%arg23 : memref<!tpu.dma_semaphore, #tpu.memory_space<semaphore_mem>>) src(%arg14 : memref<128x128xbf16, #tpu.memory_space<vmem>>) dst(%dma_wait3A_286 : memref<10240x128xbf16, #tpu.memory_space<vmem_shared>>)
      %dma_start3A_287 = arith.constant 0 : i32
      %dma_start3A_288 = tpu.memref_slice %arg9[%min3A_279, %dma_start3A_287] : memref<40x128xi32, #tpu.memory_space<vmem>> -> memref<1x128xi32, #tpu.memory_space<vmem>>
      %dma_start3A_289 = tpu.memref_squeeze %dma_start3A_288 : memref<1x128xi32, #tpu.memory_space<vmem>> -> memref<128xi32, #tpu.memory_space<vmem>>
      %dma_start3A_290 = arith.constant 0 : i32
      %dma_start3A_291 = arith.constant 0 : i32
      %dma_start3A_292 = tpu.memref_slice %arg2[%dma_start3A_290, %dma_start3A_291] : memref<10000x128xbf16, #tpu.memory_space<hbm>> -> memref<10000x128xbf16, #tpu.memory_space<hbm>>
      tpu.enqueue_indirect_dma source(%dma_start3A_292 : memref<10000x128xbf16, #tpu.memory_space<hbm>>) target(%arg14 : memref<128x128xbf16, #tpu.memory_space<vmem>>) offsets(%dma_start3A_289 : memref<128xi32, #tpu.memory_space<vmem>>) semaphore(%arg19 : memref<!tpu.dma_semaphore, #tpu.memory_space<semaphore_mem>>)
    }
    %scan3A_105 = arith.constant 10 : i32
    %dma_wait3A_106 = arith.constant 39 : i32
    %dma_wait3A_107 = arith.constant 0 : i32
    %dma_wait3A_108 = tpu.memref_slice %arg9[%dma_wait3A_106, %dma_wait3A_107] : memref<40x128xi32, #tpu.memory_space<vmem>> -> memref<1x128xi32, #tpu.memory_space<vmem>>
    %dma_wait3A_109 = tpu.memref_squeeze %dma_wait3A_108 : memref<1x128xi32, #tpu.memory_space<vmem>> -> memref<128xi32, #tpu.memory_space<vmem>>
    %dma_wait3A_110 = arith.constant 0 : i32
    %dma_wait3A_111 = arith.constant 0 : i32
    %dma_wait3A_112 = tpu.memref_slice %arg2[%dma_wait3A_110, %dma_wait3A_111] : memref<10000x128xbf16, #tpu.memory_space<hbm>> -> memref<10000x128xbf16, #tpu.memory_space<hbm>>
    tpu.wait_indirect_dma semaphore(%arg16 : memref<!tpu.dma_semaphore, #tpu.memory_space<semaphore_mem>>) src(%dma_wait3A_112 : memref<10000x128xbf16, #tpu.memory_space<hbm>>) dst(%arg11 : memref<128x128xbf16, #tpu.memory_space<vmem>>)
    %dma_wait3A_113 = arith.constant 39 : i32
    %dma_wait3A_114 = arith.constant 0 : i32
    %dma_wait3A_115 = tpu.memref_slice %arg9[%dma_wait3A_113, %dma_wait3A_114] : memref<40x128xi32, #tpu.memory_space<vmem>> -> memref<1x128xi32, #tpu.memory_space<vmem>>
    %dma_wait3A_116 = tpu.memref_squeeze %dma_wait3A_115 : memref<1x128xi32, #tpu.memory_space<vmem>> -> memref<128xi32, #tpu.memory_space<vmem>>
    %dma_wait3A_117 = arith.constant 0 : i32
    %dma_wait3A_118 = arith.constant 0 : i32
    %dma_wait3A_119 = tpu.memref_slice %arg2[%dma_wait3A_117, %dma_wait3A_118] : memref<10000x128xbf16, #tpu.memory_space<hbm>> -> memref<10000x128xbf16, #tpu.memory_space<hbm>>
    tpu.wait_indirect_dma semaphore(%arg17 : memref<!tpu.dma_semaphore, #tpu.memory_space<semaphore_mem>>) src(%dma_wait3A_119 : memref<10000x128xbf16, #tpu.memory_space<hbm>>) dst(%arg12 : memref<128x128xbf16, #tpu.memory_space<vmem>>)
    %dma_wait3A_120 = arith.constant 39 : i32
    %dma_wait3A_121 = arith.constant 0 : i32
    %dma_wait3A_122 = tpu.memref_slice %arg9[%dma_wait3A_120, %dma_wait3A_121] : memref<40x128xi32, #tpu.memory_space<vmem>> -> memref<1x128xi32, #tpu.memory_space<vmem>>
    %dma_wait3A_123 = tpu.memref_squeeze %dma_wait3A_122 : memref<1x128xi32, #tpu.memory_space<vmem>> -> memref<128xi32, #tpu.memory_space<vmem>>
    %dma_wait3A_124 = arith.constant 0 : i32
    %dma_wait3A_125 = arith.constant 0 : i32
    %dma_wait3A_126 = tpu.memref_slice %arg2[%dma_wait3A_124, %dma_wait3A_125] : memref<10000x128xbf16, #tpu.memory_space<hbm>> -> memref<10000x128xbf16, #tpu.memory_space<hbm>>
    tpu.wait_indirect_dma semaphore(%arg18 : memref<!tpu.dma_semaphore, #tpu.memory_space<semaphore_mem>>) src(%dma_wait3A_126 : memref<10000x128xbf16, #tpu.memory_space<hbm>>) dst(%arg13 : memref<128x128xbf16, #tpu.memory_space<vmem>>)
    %dma_wait3A_127 = arith.constant 39 : i32
    %dma_wait3A_128 = arith.constant 0 : i32
    %dma_wait3A_129 = tpu.memref_slice %arg9[%dma_wait3A_127, %dma_wait3A_128] : memref<40x128xi32, #tpu.memory_space<vmem>> -> memref<1x128xi32, #tpu.memory_space<vmem>>
    %dma_wait3A_130 = tpu.memref_squeeze %dma_wait3A_129 : memref<1x128xi32, #tpu.memory_space<vmem>> -> memref<128xi32, #tpu.memory_space<vmem>>
    %dma_wait3A_131 = arith.constant 0 : i32
    %dma_wait3A_132 = arith.constant 0 : i32
    %dma_wait3A_133 = tpu.memref_slice %arg2[%dma_wait3A_131, %dma_wait3A_132] : memref<10000x128xbf16, #tpu.memory_space<hbm>> -> memref<10000x128xbf16, #tpu.memory_space<hbm>>
    tpu.wait_indirect_dma semaphore(%arg19 : memref<!tpu.dma_semaphore, #tpu.memory_space<semaphore_mem>>) src(%dma_wait3A_133 : memref<10000x128xbf16, #tpu.memory_space<hbm>>) dst(%arg14 : memref<128x128xbf16, #tpu.memory_space<vmem>>)
    %barrier3A_134 = arith.constant 0 : index
    tpu.barrier barrier_id(%barrier3A_134)
    %eq3A_135 = arith.constant 0 : i32
    %eq3A_136 = arith.cmpi eq, %arg0, %eq3A_135 : i32
    %convert_element_type3A_137 = arith.extui %eq3A_136 : i1 to i32
    %cond3A_138 = arith.constant 0 : i32
    %cond3A_139 = arith.cmpi ne, %convert_element_type3A_137, %cond3A_138 : i32
    scf.if %cond3A_139 {
      %mul3A_145 = arith.constant 640 : i32
      %mul3A_146 = arith.muli %arg1, %mul3A_145 : i32
      %mul3A_147 = arith.constant 640 : i32
      %mul3A_148 = arith.muli %arg1, %mul3A_147 : i32
      "tpu.region"() ({
        %run_scoped3A = tpu.sem_alloc : memref<!tpu.dma_semaphore, #tpu.memory_space<semaphore_mem>>
        %dma_start3A_149 = arith.constant 0 : i32
        %dma_start3A_150 = tpu.memref_slice %arg7[%mul3A_148, %dma_start3A_149] : memref<10240x128xbf16, #tpu.memory_space<hbm>> -> memref<640x128xbf16, #tpu.memory_space<hbm>>
        %dma_start3A_151 = arith.constant 0 : i32
        %dma_start3A_152 = tpu.memref_slice %arg15[%mul3A_146, %dma_start3A_151] : memref<10240x128xbf16, #tpu.memory_space<vmem_shared>> -> memref<640x128xbf16, #tpu.memory_space<vmem_shared>>
        tpu.enqueue_dma source(%dma_start3A_152 : memref<640x128xbf16, #tpu.memory_space<vmem_shared>>) target(%dma_start3A_150 : memref<640x128xbf16, #tpu.memory_space<hbm>>) target_semaphore(%run_scoped3A : memref<!tpu.dma_semaphore, #tpu.memory_space<semaphore_mem>>)
        %dma_wait3A_153 = arith.constant 0 : i32
        %dma_wait3A_154 = tpu.memref_slice %arg7[%mul3A_148, %dma_wait3A_153] : memref<10240x128xbf16, #tpu.memory_space<hbm>> -> memref<640x128xbf16, #tpu.memory_space<hbm>>
        %dma_wait3A_155 = arith.constant 0 : i32
        %dma_wait3A_156 = tpu.memref_slice %arg15[%mul3A_146, %dma_wait3A_155] : memref<10240x128xbf16, #tpu.memory_space<vmem_shared>> -> memref<640x128xbf16, #tpu.memory_space<vmem_shared>>
        tpu.wait_dma2 semaphore(%run_scoped3A : memref<!tpu.dma_semaphore, #tpu.memory_space<semaphore_mem>>) src(%dma_wait3A_156 : memref<640x128xbf16, #tpu.memory_space<vmem_shared>>) dst(%dma_wait3A_154 : memref<640x128xbf16, #tpu.memory_space<hbm>>)
        tpu.yield
      }) : () -> ()
    } else {
    }
    %eq3A_140 = arith.constant 1 : i32
    %eq3A_141 = arith.cmpi eq, %arg0, %eq3A_140 : i32
    %convert_element_type3A_142 = arith.extui %eq3A_141 : i1 to i32
    %cond3A_143 = arith.constant 0 : i32
    %cond3A_144 = arith.cmpi ne, %convert_element_type3A_142, %cond3A_143 : i32
    scf.if %cond3A_144 {
      %mul3A_145 = arith.constant 640 : i32
      %mul3A_146 = arith.muli %arg1, %mul3A_145 : i32
      %mul3A_147 = arith.constant 640 : i32
      %mul3A_148 = arith.muli %arg1, %mul3A_147 : i32
      "tpu.region"() ({
        %run_scoped3A = tpu.sem_alloc : memref<!tpu.dma_semaphore, #tpu.memory_space<semaphore_mem>>
        %dma_start3A_149 = arith.constant 0 : i32
        %dma_start3A_150 = tpu.memref_slice %arg8[%mul3A_148, %dma_start3A_149] : memref<10240x128xbf16, #tpu.memory_space<hbm>> -> memref<640x128xbf16, #tpu.memory_space<hbm>>
        %dma_start3A_151 = arith.constant 0 : i32
        %dma_start3A_152 = tpu.memref_slice %arg15[%mul3A_146, %dma_start3A_151] : memref<10240x128xbf16, #tpu.memory_space<vmem_shared>> -> memref<640x128xbf16, #tpu.memory_space<vmem_shared>>
        tpu.enqueue_dma source(%dma_start3A_152 : memref<640x128xbf16, #tpu.memory_space<vmem_shared>>) target(%dma_start3A_150 : memref<640x128xbf16, #tpu.memory_space<hbm>>) target_semaphore(%run_scoped3A : memref<!tpu.dma_semaphore, #tpu.memory_space<semaphore_mem>>)
        %dma_wait3A_153 = arith.constant 0 : i32
        %dma_wait3A_154 = tpu.memref_slice %arg8[%mul3A_148, %dma_wait3A_153] : memref<10240x128xbf16, #tpu.memory_space<hbm>> -> memref<640x128xbf16, #tpu.memory_space<hbm>>
        %dma_wait3A_155 = arith.constant 0 : i32
        %dma_wait3A_156 = tpu.memref_slice %arg15[%mul3A_146, %dma_wait3A_155] : memref<10240x128xbf16, #tpu.memory_space<vmem_shared>> -> memref<640x128xbf16, #tpu.memory_space<vmem_shared>>
        tpu.wait_dma2 semaphore(%run_scoped3A : memref<!tpu.dma_semaphore, #tpu.memory_space<semaphore_mem>>) src(%dma_wait3A_156 : memref<640x128xbf16, #tpu.memory_space<vmem_shared>>) dst(%dma_wait3A_154 : memref<640x128xbf16, #tpu.memory_space<hbm>>)
        tpu.yield
      }) : () -> ()
    } else {
    }
    return
  }
}

#map = affine_map<(d0, d1) -> (0, 0)>
#map1 = affine_map<(d0, d1) -> (0)>
module attributes {stable_mosaic.version = 14 : i64} {
  func.func @_gather_body(%arg0: i32, %arg1: i32, %arg2: memref<10000x128xf32, #tpu.memory_space<hbm>>, %arg3: memref<4096xi32, #tpu.memory_space<hbm>>, %arg4: memref<4096x128xf32, #tpu.memory_space<hbm>>, %arg5: memref<128xi32, #tpu.memory_space<vmem>>, %arg6: memref<128x128xf32, #tpu.memory_space<vmem>>, %arg7: memref<!tpu.dma_semaphore, #tpu.memory_space<semaphore_mem>>) attributes {dimension_semantics = [#tpu.dimension_semantics<core_parallel>, #tpu.dimension_semantics<subcore_parallel>], iteration_bounds = array<i64: 2, 16>, scalar_prefetch = 0 : i64, scratch_operands = 3 : i64, tpu.core_type = #tpu.core_type<sc_vector_subcore>, window_params = [{transform_indices = #map}, {transform_indices = #map1}, {transform_indices = #map}]} {
    %mul3A = arith.constant 16 : i32
    %mul3A_0 = arith.muli %arg0, %mul3A : i32
    %add3A = arith.addi %mul3A_0, %arg1 : i32
    %mul3A_1 = arith.constant 128 : i32
    %mul3A_2 = arith.muli %add3A, %mul3A_1 : i32
    "tpu.region"() ({
      %run_scoped3A = tpu.sem_alloc : memref<!tpu.dma_semaphore, #tpu.memory_space<semaphore_mem>>
      %dma_start3A_7 = tpu.memref_slice %arg3[%mul3A_2] : memref<4096xi32, #tpu.memory_space<hbm>> -> memref<128xi32, #tpu.memory_space<hbm>>
      %dma_start3A_8 = tpu.memref_slice %arg3[%mul3A_2] : memref<4096xi32, #tpu.memory_space<hbm>> -> memref<128xi32, #tpu.memory_space<hbm>>
      tpu.enqueue_dma source(%dma_start3A_8 : memref<128xi32, #tpu.memory_space<hbm>>) target(%arg5 : memref<128xi32, #tpu.memory_space<vmem>>) target_semaphore(%run_scoped3A : memref<!tpu.dma_semaphore, #tpu.memory_space<semaphore_mem>>)
      %dma_wait3A_9 = tpu.memref_slice %arg3[%mul3A_2] : memref<4096xi32, #tpu.memory_space<hbm>> -> memref<128xi32, #tpu.memory_space<hbm>>
      %dma_wait3A_10 = tpu.memref_slice %arg3[%mul3A_2] : memref<4096xi32, #tpu.memory_space<hbm>> -> memref<128xi32, #tpu.memory_space<hbm>>
      tpu.wait_dma2 semaphore(%run_scoped3A : memref<!tpu.dma_semaphore, #tpu.memory_space<semaphore_mem>>) src(%dma_wait3A_10 : memref<128xi32, #tpu.memory_space<hbm>>) dst(%arg5 : memref<128xi32, #tpu.memory_space<vmem>>)
      tpu.yield
    }) : () -> ()
    %dma_start3A = arith.constant 0 : i32
    %dma_start3A_3 = arith.constant 0 : i32
    %dma_start3A_4 = tpu.memref_slice %arg2[%dma_start3A, %dma_start3A_3] : memref<10000x128xf32, #tpu.memory_space<hbm>> -> memref<10000x128xf32, #tpu.memory_space<hbm>>
    tpu.enqueue_indirect_dma source(%dma_start3A_4 : memref<10000x128xf32, #tpu.memory_space<hbm>>) target(%arg6 : memref<128x128xf32, #tpu.memory_space<vmem>>) offsets(%arg5 : memref<128xi32, #tpu.memory_space<vmem>>) semaphore(%arg7 : memref<!tpu.dma_semaphore, #tpu.memory_space<semaphore_mem>>)
    %dma_wait3A = arith.constant 0 : i32
    %dma_wait3A_5 = arith.constant 0 : i32
    %dma_wait3A_6 = tpu.memref_slice %arg2[%dma_wait3A, %dma_wait3A_5] : memref<10000x128xf32, #tpu.memory_space<hbm>> -> memref<10000x128xf32, #tpu.memory_space<hbm>>
    tpu.wait_indirect_dma semaphore(%arg7 : memref<!tpu.dma_semaphore, #tpu.memory_space<semaphore_mem>>) src(%dma_wait3A_6 : memref<10000x128xf32, #tpu.memory_space<hbm>>) dst(%arg6 : memref<128x128xf32, #tpu.memory_space<vmem>>)
    "tpu.region"() ({
      %run_scoped3A = tpu.sem_alloc : memref<!tpu.dma_semaphore, #tpu.memory_space<semaphore_mem>>
      %dma_start3A_7 = arith.constant 0 : i32
      %dma_start3A_8 = tpu.memref_slice %arg4[%mul3A_2, %dma_start3A_7] : memref<4096x128xf32, #tpu.memory_space<hbm>> -> memref<128x128xf32, #tpu.memory_space<hbm>>
      %dma_start3A_9 = arith.constant 0 : i32
      %dma_start3A_10 = tpu.memref_slice %arg4[%mul3A_2, %dma_start3A_9] : memref<4096x128xf32, #tpu.memory_space<hbm>> -> memref<128x128xf32, #tpu.memory_space<hbm>>
      tpu.enqueue_dma source(%arg6 : memref<128x128xf32, #tpu.memory_space<vmem>>) target(%dma_start3A_10 : memref<128x128xf32, #tpu.memory_space<hbm>>) target_semaphore(%run_scoped3A : memref<!tpu.dma_semaphore, #tpu.memory_space<semaphore_mem>>)
      %dma_wait3A_11 = arith.constant 0 : i32
      %dma_wait3A_12 = tpu.memref_slice %arg4[%mul3A_2, %dma_wait3A_11] : memref<4096x128xf32, #tpu.memory_space<hbm>> -> memref<128x128xf32, #tpu.memory_space<hbm>>
      %dma_wait3A_13 = arith.constant 0 : i32
      %dma_wait3A_14 = tpu.memref_slice %arg4[%mul3A_2, %dma_wait3A_13] : memref<4096x128xf32, #tpu.memory_space<hbm>> -> memref<128x128xf32, #tpu.memory_space<hbm>>
      tpu.wait_dma2 semaphore(%run_scoped3A : memref<!tpu.dma_semaphore, #tpu.memory_space<semaphore_mem>>) src(%arg6 : memref<128x128xf32, #tpu.memory_space<vmem>>) dst(%dma_wait3A_14 : memref<128x128xf32, #tpu.memory_space<hbm>>)
      tpu.yield
    }) : () -> ()
    return
  }
}

module attributes {stable_mosaic.version = 14 : i64} {
  func.func @_scale_body(%arg0: memref<2x10240x16xf32, #tpu.memory_space<vmem>>, %arg1: memref<10000x128xf32, #tpu.memory_space<vmem>>, %arg2: memref<128x128xf32, #tpu.memory_space<vmem>>, %arg3: memref<10000x128xbf16, #tpu.memory_space<vmem>>, %arg4: memref<10000xf32, #tpu.memory_space<vmem>>) attributes {dimension_semantics = [], scalar_prefetch = 0 : i64, scratch_operands = 0 : i64, tpu.core_type = #tpu.core_type<tc>} {
    %get3A = arith.constant 0 : index
    %get3A_0 = arith.constant 0 : index
    %get3A_1 = arith.constant 0 : index
    %get3A_2 = vector.load %arg0[%get3A, %get3A_0, %get3A_1] : memref<2x10240x16xf32, #tpu.memory_space<vmem>>, vector<1x10000x1xf32>
    %get3A_3 = vector.shape_cast %get3A_2 : vector<1x10000x1xf32> to vector<10000x1xf32>
    %get3A_4 = arith.constant 1 : index
    %get3A_5 = arith.constant 0 : index
    %get3A_6 = arith.constant 0 : index
    %get3A_7 = vector.load %arg0[%get3A_4, %get3A_5, %get3A_6] : memref<2x10240x16xf32, #tpu.memory_space<vmem>>, vector<1x10000x1xf32>
    %get3A_8 = vector.shape_cast %get3A_7 : vector<1x10000x1xf32> to vector<10000x1xf32>
    %add3A = arith.addf %get3A_3, %get3A_8 : vector<10000x1xf32>
    %max3A = arith.constant 1.000000e+00 : f32
    %max3A_9 = vector.broadcast %max3A : f32 to vector<10000x1xf32>
    %max3A_10 = arith.maximumf %add3A, %max3A_9 : vector<10000x1xf32>
    %rsqrt3A = math.rsqrt %max3A_10 : vector<10000x1xf32>
    %get3A_11 = arith.constant 0 : index
    %get3A_12 = arith.constant 0 : index
    %get3A_13 = vector.load %arg1[%get3A_11, %get3A_12] : memref<10000x128xf32, #tpu.memory_space<vmem>>, vector<10000x128xf32>
    %get3A_14 = arith.constant 0 : index
    %get3A_15 = arith.constant 0 : index
    %get3A_16 = vector.load %arg2[%get3A_14, %get3A_15] : memref<128x128xf32, #tpu.memory_space<vmem>>, vector<128x128xf32>
    %dot_general3A = arith.constant dense<0.000000e+00> : vector<10000x128xf32>
    %dot_general3A_17 = tpu.matmul %get3A_13, %get3A_16, %dot_general3A {dimension_numbers = #tpu.dot_dimension_numbers<[1], [0], [0], [1], [0, 0, 1, 1], [], []>, precision = #tpu.contract_precision<fp32>, transpose_lhs_hint = false} : vector<10000x128xf32>, vector<128x128xf32>, vector<10000x128xf32> -> vector<10000x128xf32>
    %mul3A = vector.broadcast %rsqrt3A : vector<10000x1xf32> to vector<10000x128xf32>
    %mul3A_18 = arith.mulf %mul3A, %dot_general3A_17 : vector<10000x128xf32>
    %convert_element_type3A = arith.truncf %mul3A_18 : vector<10000x128xf32> to vector<10000x128xbf16>
    %swap3A = arith.constant 0 : index
    %swap3A_19 = arith.constant 0 : index
    %swap3A_20 = vector.load %arg3[%swap3A, %swap3A_19] : memref<10000x128xbf16, #tpu.memory_space<vmem>>, vector<10000x128xbf16>
    tpu.vector_store %arg3[%swap3A, %swap3A_19], %convert_element_type3A {strides = array<i32>} : memref<10000x128xbf16, #tpu.memory_space<vmem>>, vector<10000x128xbf16>,
    %squeeze3A = vector.shape_cast %rsqrt3A : vector<10000x1xf32> to vector<10000xf32>
    %swap3A_21 = arith.constant 0 : index
    %swap3A_22 = vector.load %arg4[%swap3A_21] : memref<10000xf32, #tpu.memory_space<vmem>>, vector<10000xf32>
    tpu.vector_store %arg4[%swap3A_21], %squeeze3A {strides = array<i32>} : memref<10000xf32, #tpu.memory_space<vmem>>, vector<10000xf32>,
    return
  }
}

module attributes {stable_mosaic.version = 14 : i64} {
  func.func @_final_body(%arg0: memref<10240x128xbf16, #tpu.memory_space<vmem>>, %arg1: memref<10240x128xbf16, #tpu.memory_space<vmem>>, %arg2: memref<10000xf32, #tpu.memory_space<vmem>>, %arg3: memref<10000x128xf32, #tpu.memory_space<vmem>>) attributes {dimension_semantics = [], scalar_prefetch = 0 : i64, scratch_operands = 0 : i64, tpu.core_type = #tpu.core_type<tc>} {
    %get3A = arith.constant 0 : index
    %get3A_0 = arith.constant 0 : index
    %get3A_1 = vector.load %arg0[%get3A, %get3A_0] : memref<10240x128xbf16, #tpu.memory_space<vmem>>, vector<10000x128xbf16>
    %convert_element_type3A = arith.extf %get3A_1 : vector<10000x128xbf16> to vector<10000x128xf32>
    %get3A_2 = arith.constant 0 : index
    %get3A_3 = arith.constant 0 : index
    %get3A_4 = vector.load %arg1[%get3A_2, %get3A_3] : memref<10240x128xbf16, #tpu.memory_space<vmem>>, vector<10000x128xbf16>
    %convert_element_type3A_5 = arith.extf %get3A_4 : vector<10000x128xbf16> to vector<10000x128xf32>
    %add3A = arith.addf %convert_element_type3A, %convert_element_type3A_5 : vector<10000x128xf32>
    %get3A_6 = arith.constant 0 : index
    %get3A_7 = vector.load %arg2[%get3A_6] : memref<10000xf32, #tpu.memory_space<vmem>>, vector<10000xf32>
    %broadcast_in_dim3A = vector.shape_cast %get3A_7 : vector<10000xf32> to vector<10000x1xf32>
    %mul3A = vector.broadcast %broadcast_in_dim3A : vector<10000x1xf32> to vector<10000x128xf32>
    %mul3A_8 = arith.mulf %mul3A, %add3A : vector<10000x128xf32>
    %max3A = arith.constant 0.000000e+00 : f32
    %max3A_9 = vector.broadcast %max3A : f32 to vector<10000x128xf32>
    %max3A_10 = arith.maximumf %mul3A_8, %max3A_9 : vector<10000x128xf32>
    %swap3A = arith.constant 0 : index
    %swap3A_11 = arith.constant 0 : index
    %swap3A_12 = vector.load %arg3[%swap3A, %swap3A_11] : memref<10000x128xf32, #tpu.memory_space<vmem>>, vector<10000x128xf32>
    tpu.vector_store %arg3[%swap3A, %swap3A_11], %max3A_10 {strides = array<i32>} : memref<10000x128xf32, #tpu.memory_space<vmem>>, vector<10000x128xf32>,
    return
  }
}

</mosaic_0001>

<sc_bundles>
// kernel: kernel.10.cloned.1.call-start
scs
__scs_entry_jumppad:
0x0: {  	(pc) =	sbr.rel $0x88, $3  }
0x1: {  	(tag) =	ssettag $0x0;
	lr =	simm.s32 $0x1  }
0x2: {  	[smem:$0x3F9D] =	sst lr;
	_ =	strace $0xD0000000  }
0x3: {  	_ = 	snop  }
0x4: {  	_ = 	snop  }
0x5: {  	_ = 	snop  }
0x6: {  	_ = 	snop  }
0x7: {  	_ = 	snop  }
__scs_overlays_trampoline_lowered:
0x8: {  	[smem:$0x3FAC] =	sst s0  }
0x9: {  	[smem:$0x3FAD] =	sst s1  }
0xa: {  	[smem:$0x3FAE] =	sst s2  }
0xb: {  	[smem:$0x3FAF] =	sst s3  }
0xc: {  	[smem:$0x3FB0] =	sst s4  }
0xd: {  	[smem:$0x3FB1] =	sst s5  }
0xe: {  	[smem:$0x3FB2] =	sst s6  }
0xf: {  	[smem:$0x3FB3] =	sst s7  }
0x10: {  	[smem:$0x3FB4] =	sst s8  }
0x11: {  	[smem:$0x3FB5] =	sst s9;
	s0 =	simm.s32 @!p0 $0x0  }
0x12: {  	s1 =	sld [smem:$0x3F9B];
	s0 =	simm.s32 @p0 $0x1  }
0x13: {  	[smem:$0x3FB6] =	sst s0;
	s0 =	simm.s32 @!p1 $0x0  }
0x14: {  	s2 =	sld [smem:$0x3F9A];
	s0 =	simm.s32 @p1 $0x1  }
0x15: {  	[smem:$0x3FB7] =	sst s0;
	s0 =	simm.s32 @!p2 $0x0  }
0x16: {  	s3 =	sld [smem:$0x3FDB];
	s0 =	simm.s32 @p2 $0x1  }
0x17: {  	s4 =	simm.s32 $0x1BF5;
	[smem:$0x3FB9] =	sst s0  }
0x18: {  	s0 =	sld [smem:$0x3F9C];
	_ =	swait.ge [sflag:s4], $0x0  }
0x19: {  	s7 =	sld [smem:$0x3F9D]  }
0x1a: {  	s8 =	sadd.s32 $0xFFFFE003, lr  }
0x1b: {  	s9 =	sadd.s32 $0xFFFFFEF7, lr;
	s5 =	simm.s32 $0xFFFFFFFF;
	p2 =	slt.u32 s8, $0xFFFFF086  }
0x1c: {  	p1 =	slt.u32 s9, $0xF7A;
	s5 =	simm.s32 @!p2 $0x0  }
0x1d: {  	s5 =	simm.s32 @p1 $0x1;
	p0 =	seq.s32 s7, s2  }
0x1e: {  	s7 =	smul.u32 @!p0 $0xF7A, s2;
	p2 =	seq.s32 @!p0 s5, $0x0  }
0x1f: {  	s9 =	smul.u32 $0xF7A, s1;
	s8 =	simm.s32 @!p0 $0x1BF5;
	p2 =	por !p2, p0  }
0x20: {  	[sflag:s8] =	ssyncset.s32 @!p0 $0xFFFFF086;
	s6 =	sadd.s32 @!p0 s3, s7;
	s7 =	simm.s32 @!p0 $0x108  }
0x21: {  	s3 =	sadd.s32 s3, s9;
	s6 =	sadd.s32 @!p0 $0x88, s6;
	s7 =	simm.s32 @p2 $0x1082  }
0x22: {  	[simem:s7], [sflag:s8] =	dma.local @!p0 [hbm:s6], $0xF7A  }
0x23: {  	s9 =	sor.u32 $0xD0000000, s2;
	s6 =	simm.s32 $0x108;
	_ =	swait.ge @!p0 [sflag:s8], $0x0  }
0x24: {  	s3 =	sadd.s32 $0x88, s3;
	s6 =	simm.s32 @!p1 $0x1082;
	[sflag:s4] =	ssyncset.s32 $0xFFFFF086  }
0x25: {  	[simem:s6], [sflag:s4] =	dma.local [hbm:s3], $0xF7A  }
0x26: {  	[smem:$0x3F9D] =	sst s1;
	(tag) =	ssettag s2;
	_ =	strace s9  }
0x27: {  	s1 =	sld [smem:$0x3FAD]  }
0x28: {  	s2 =	sld [smem:$0x3FAE]  }
0x29: {  	s4 =	sld [smem:$0x3FB0]  }
0x2a: {  	p0 =	seq.s32 s5, $0x0;
	s5 =	sld [smem:$0x3FB1]  }
0x2b: {  	s6 =	sld [smem:$0x3FB2]  }
0x2c: {  	s7 =	sld [smem:$0x3FB3]  }
0x2d: {  	s3 =	simm.s32 $0x108;
	s8 =	sld [smem:$0x3FB4]  }
0x2e: {  	s3 =	simm.s32 @!p0 $0x1082;
	s9 =	sld [smem:$0x3FB5]  }
0x2f: {  	lr =	sadd.s32 s0, s3;
	s0 =	sld [smem:$0x3FAC]  }
0x30: {  	s3 =	sld [smem:$0x3FAF]  }
0x31: {  	[smem:$0x3FB8] =	sst s10  }
0x32: {  	s10 =	sld [smem:$0x3FB6];
	_ =	sdelay $0x3  }
0x33: {  	p0 =	seq.s32 s10, $0x1;
	s10 =	sld [smem:$0x3FB8];
	_ =	sdelay $0x3  }
0x34: {  	[smem:$0x3FB8] =	sst s10  }
0x35: {  	s10 =	sld [smem:$0x3FB7];
	_ =	sdelay $0x3  }
0x36: {  	p1 =	seq.s32 s10, $0x1;
	s10 =	sld [smem:$0x3FB8];
	_ =	sdelay $0x3  }
0x37: {  	[smem:$0x3FB8] =	sst s10  }
0x38: {  	s10 =	sld [smem:$0x3FB9]  }
0x39: {  	_ = 	snop;
	(pc) =	sbr.ind lr, $3  }
0x3a: {  	_ = 	snop  }
0x3b: {  	_ = 	snop  }
0x3c: {  	p2 =	seq.s32 s10, $0x1;
	s10 =	sld [smem:$0x3FB8]  }
0x3d: {  	_ =	shalt  }
0x3e: {  	_ =	shalt  }
0x3f: {  	_ =	shalt  }
0x40: {  	_ =	shalt  }
0x41: {  	_ =	shalt  }
0x42: {  	_ =	shalt  }
0x43: {  	_ =	shalt  }
0x44: {  	_ =	shalt  }
0x45: {  	_ =	shalt  }
0x46: {  	_ =	shalt  }
0x47: {  	_ =	shalt  }
0x48: {  	_ =	shalt  }
0x49: {  	_ =	shalt  }
0x4a: {  	_ =	shalt  }
0x4b: {  	_ =	shalt  }
0x4c: {  	_ =	shalt  }
0x4d: {  	_ =	shalt  }
0x4e: {  	_ =	shalt  }
0x4f: {  	_ =	shalt  }
0x50: {  	_ =	shalt  }
0x51: {  	_ =	shalt  }
0x52: {  	_ =	shalt  }
0x53: {  	_ =	shalt  }
0x54: {  	_ =	shalt  }
0x55: {  	_ =	shalt  }
0x56: {  	_ =	shalt  }
0x57: {  	_ =	shalt  }
0x58: {  	_ =	shalt  }
0x59: {  	_ =	shalt  }
0x5a: {  	_ =	shalt  }
0x5b: {  	_ =	shalt  }
0x5c: {  	_ =	shalt  }
0x5d: {  	_ =	shalt  }
0x5e: {  	_ =	shalt  }
0x5f: {  	_ =	shalt  }
0x60: {  	_ =	shalt  }
0x61: {  	_ =	shalt  }
0x62: {  	_ =	shalt  }
0x63: {  	_ =	shalt  }
0x64: {  	_ =	shalt  }
0x65: {  	_ =	shalt  }
0x66: {  	_ =	shalt  }
0x67: {  	_ =	shalt  }
0x68: {  	_ =	shalt  }
0x69: {  	_ =	shalt  }
0x6a: {  	_ =	shalt  }
0x6b: {  	_ =	shalt  }
0x6c: {  	_ =	shalt  }
0x6d: {  	_ =	shalt  }
0x6e: {  	_ =	shalt  }
0x6f: {  	_ =	shalt  }
0x70: {  	_ =	shalt  }
0x71: {  	_ =	shalt  }
0x72: {  	_ =	shalt  }
0x73: {  	_ =	shalt  }
0x74: {  	_ =	shalt  }
0x75: {  	_ =	shalt  }
0x76: {  	_ =	shalt  }
0x77: {  	_ =	shalt  }
0x78: {  	_ =	shalt  }
0x79: {  	_ =	shalt  }
0x7a: {  	_ =	shalt  }
0x7b: {  	_ =	shalt  }
0x7c: {  	_ =	shalt  }
0x7d: {  	_ =	shalt  }
0x7e: {  	_ =	shalt  }
0x7f: {  	_ =	shalt  }
0x80: {  	_ =	shalt  }
0x81: {  	_ =	shalt  }
0x82: {  	_ =	shalt  }
0x83: {  	_ =	shalt  }
0x84: {  	_ =	shalt  }
0x85: {  	_ =	shalt  }
0x86: {  	_ =	shalt  }
0x87: {  	_ =	shalt  }
.Lfunc_end0:
.L_simem_size_0:
called_computation.1_lowered:
.L_overlay_start_0:
0x88: {  	s2 =	sld [smem:$0x3FD9]  }
0x89: {  	s3 =	sld [smem:$0x3FFE];
	_ =	sdelay $0x1  }
0x8a: {  	s1 =	srdreg.scid  }
0x8b: {  	s0 =	sand.u32 $0x1, s1  }
0x8c: {  	s17 =	sshll.u32 s0, $0xA;
	s2 =	sadd.s32 s3, s2  }
0x8d: {  	s2 =	sadd.s32 s2, s17  }
0x8e: {  	[smem:$0x3FC4] =	sst s2  }
0x8f: {  	_ = 	snop  }
0x90: {  	s2 =	sld [smem:$0x3FD0];
	(tm) =	ssettm $0x1  }
0x91: {  	s18 =	sld [smem:$0x3FFB];
	_ =	sdelay $0x3  }
0x92: {  	_ =	strace s18  }
0x93: {  	s3 =	sld [smem:$0x3FFC];
	_ =	sdelay $0x3  }
0x94: {  	_ =	strace s3  }
0x95: {  	s3 =	sld [smem:$0x3FFD];
	_ =	sdelay $0x3  }
0x96: {  	_ =	strace s3  }
0x97: {  	_ =	strace $0x8FFFFFFF  }
0x98: {  	s19 =	sld [smem:$0x3FDB];
	_ =	sdelay $0x1  }
0x99: {  	s4 =	simm.s32 $_scs_section_size  }
0x9a: {  	s5 =	simm.s32 $_size__tile_overlayer_lowered;
	s6 =	simm.s32 $_tile_overlayer_lowered  }
0x9b: {  	s22 =	simm.s32 $0x1BFF;
	s21 =	sshll.u32 s6, $0x1;
	s3 =	sadd.s32 s4, s19  }
0x9c: {  	s7 =	simm.s32 $0x0;
	s20 =	sshll.u32 s5, $0x1;
	s5 =	sadd.s32 s21, s3  }
0x9d: {  	[timem:s7], [sflag:s22] =	dma.local [hbm:s5], s20  }
0x9e: {  	_ =	swait.ge [sflag:s22], s20  }
0x9f: {  	s4 =	ssub.s32 $0x0, s20;
	[sflag:s22] =	ssyncset.done $0x0  }
0xa0: {  	[sflag:s22] =	ssyncadd.s32 s4;
	_ =	sdelay $0x1  }
0xa1: {  	s23 =	simm.s32 $0x1B8B  }
0xa2: {  	_ =	swait.ge [sflag:s23], $0x1  }
0xa3: {  	[sflag:s23] =	ssyncset.done $0x0  }
0xa4: {  	s25 =	simm.s32 $0x1B8E;
	s24 =	sld [smem:$0x3FFE];
	[sflag:s23] =	ssyncadd.s32 $0xFFFFFFFF  }
0xa5: {  	s26 =	simm.s32 $execute0_lowered;
	[smem:$0x3FD2] =	sst s25  }
0xa6: {  	s5 =	sshll.u32 s26, $0x1;
	_ =	strace $0x80000049;
	[dreg:$0x1] =	wrdreg $0xFFFFFFFF  }
0xa7: {  	s28 =	simm.s32 $_size_execute0_lowered;
	s3 =	sadd.s32 s3, s5;
	[dreg:$0x0] =	wrdreg $0x0  }
0xa8: {  	s5 =	sshll.u32 s28, $0x1;
	[dreg:$0x2] =	wrdreg s3  }
0xa9: {  	[dreg:$0x3] =	wrdreg s5  }
0xaa: {  	[dreg:$0x4] =	wrdreg $0xC0  }
0xab: {  	_ =	task [dreg:s7], $0x5FFFF  }
0xac: {  	[dreg:$0x1] =	wrdreg $0xFFFFFFFF  }
0xad: {  	[dreg:$0x0] =	wrdreg $0x60  }
0xae: {  	[dreg:$0x2] =	wrdreg s24  }
0xaf: {  	[dreg:$0x3] =	wrdreg s2  }
0xb0: {  	[dreg:$0x4] =	wrdreg $0xA8000  }
0xb1: {  	[dreg:$0x5] =	wrdreg $0x9  }
0xb2: {  	_ =	task.clear_ibuf [dreg:s7], $0x6FFFF;
	_ =	strace $0x90000049  }
0xb3: {  	s29 =	simm.s32 $0x9;
	_ =	strace $0x8000004B  }
0xb4: {  	_ =	swait.ge [sflag:s29], $0x1  }
0xb5: {  	[sflag:s29] =	ssyncadd.s32 $0xFFFFFFFF  }
0xb6: {  	_ =	strace $0x9000004B  }
0xb7: {  	_ =	sfence  }
0xb8: {  	s30 =	sld [smem:$0x0];
	_ =	sdelay $0x2  }
0xb9: {  	s31 =	sshll.u32 s1, $0xD;
	s1 =	sshrl.u32 s1, $0x2  }
0xba: {  	s3 =	sand.u32 $0x4000, s31;
	s1 =	sadd.s32 s1, s30  }
0xbb: {  	s0 =	sor.u32 s3, s0;
	s1 =	sshll.u32 s1, $0x11  }
0xbc: {  	s0 =	sor.u32 s1, s0  }
0xbd: {  	s0 =	sadd.s32 $0x8F2B, s0  }
0xbe: {  	[sflag:s0] =	ssyncadd.remote.s32 $0x1  }
0xbf: {  	_ =	sfence.sel $0xFFFF  }
0xc0: {  	[dreg:$0x0] =	wrdreg $0xFFFFFFFF;
	(pc) =	sbr.abs _section_cstart, $3  }
0xc1: {  	[dreg:$0x1] =	wrdreg $0xFFFFFFFF  }
0xc2: {  	_ =	task.clear_ibuf [dreg:s7], $0x2FFFF;
	_ =	strace $0x9FFFFFFF  }
0xc3: {  	(tm) =	ssettm $0x7FFFFFFF  }
tec
execute0_lowered:
.L_overlay_start_1:
0x0: {  	(tag) =	ssettag $0x1  }
0x1: {  	s0 =	rddreg [dreg:$0x0]  }
0x2: {  	s1 =	rddreg [dreg:$0x1]  }
0x3: {  	s2 =	rddreg [dreg:$0x2];
	s3 =	simm.s32 $0x0;
	s14 =	stileid.u32  }
0x4: {  	s4 =	srdreg.scid;
	s28 =	simm.s32 $0x6800;
	s30 =	simm.s32 $0x8800  }
0x5: {  	s31 =	simm.s32 $0x1;
	s15 =	simm.s32 $0x1200;
	s16 =	simm.s32 $0x1380  }
0x6: {  	s17 =	simm.s32 $0x2600;
	[smem:$0x7FF] =	sst s3;
	s5 =	smul.u32 $0x13800, s14  }
0x7: {  	s7 =	smul.u32 $0x14000, s14;
	s8 =	sand.u32 $0x1, s4;
	s4 =	sadd.s32 $0x42600, s0  }
0x8: {  	s10 =	sadd.s32 $0x1A00, s0;
	s13 =	sadd.s32 $0x9C000, s2;
	_ =	strace $0x8000004A  }
0x9: {  	s9 =	ssub.s32 $0x2, s8;
	s18 =	sshll.u32 s8, $0x4;
	p0 =	seq.s32 s8, $0x0  }
0xa: {  	s20 =	sor.u32 s14, s8;
	p1 =	sne.s32 s8, $0x0;
	s8 =	simm.s32 $0x6  }
0xb: {  	s6 =	sshrl.u32 s5, $0x4;
	s11 =	sshrl.u32 s7, $0x4;
	s12 =	sshrl.u32 s9, $0x1  }
0xc: {  	s5 =	sshrl.u32 s5, $0x1;
	s7 =	sshrl.u32 s7, $0x1;
	p2 =	sne.s32 s20, $0x0  }
0xd: {  	s20 =	simm.s32 $0x0;
	s6 =	sadd.s32 s6, s0;
	s11 =	sadd.s32 s11, s0  }
0xe: {  	s9 =	ssub.s32 s9, s12;
	s12 =	sor.u32 s14, s18;
	s0 =	sadd.s32 $0x2E400, s0  }
0xf: {  	s5 =	sadd.s32 s5, s2;
	s7 =	sadd.s32 s7, s2;
	[dreg:$0x5] =	wrdreg s0  }
0x10: {  	s18 =	simm.s32 $0x2680;
	s6 =	sadd.s32 $0x1AC00, s6;
	[dreg:$0x6] =	wrdreg s7  }
0x11: {  	s19 =	smul.u32 $0x2800, s12;
	s22 =	sadd.s32 $0x2E600, s11;
	[dreg:$0x4] =	wrdreg s6  }
0x12: {  	s29 =	smax.u32 s9, $0x1;
	s9 =	simm.s32 $0x7;
	[dreg:$0x7] =	wrdreg s22  }
0x13: {  	[dreg:$0xc] =	wrdreg s29;
	s6 =	simm.s32 $0x5;
	s21 =	sshrl.u32 s19, $0x3  }
0x14: {  	s22 =	simm.s32 $0x1300;
	s19 =	simm.s32 $0x2780;
	s23 =	sadd.s32 s10, s21  }
0x15: {  	s24 =	sadd.s32 $0x280, s21;
	s0 =	sadd.s32 s1, s21;
	[dreg:$0x8] =	wrdreg s23  }
0x16: {  	s21 =	simm.s32 $0x9;
	[dreg:$0x9] =	wrdreg s0;
	s25 =	sadd.s32 s10, s24  }
0x17: {  	s26 =	sadd.s32 s1, s24;
	s0 =	simm.s32 $0x6A000;
	s1 =	sshll.u32 @!p1 s14, $0x6  }
0x18: {  	s23 =	simm.s32 $0x80;
	s24 =	simm.s32 $0x2800;
	[dreg:$0xa] =	wrdreg s25  }
0x19: {  	s10 =	simm.s32 $0x8;
	[dreg:$0xb] =	wrdreg s26;
	s0 =	simm.s32 @!p0 $0x56000  }
0x1a: {  	s25 =	simm.s32 $0x4800;
	s26 =	simm.s32 $0x2700;
	s0 =	sadd.s32 s0, s11  }
0x1b: {  	[dreg:$0xd] =	wrdreg s0;
	s0 =	sor.u32 @!p1 $0x1C09, s1;
	s1 =	sshrl.u32 @!p1 s5, $0x3  }
0x1c: {  	s5 =	simm.s32 $0x4;
	[dreg:$0xe] =	wrdreg s0;
	s0 =	sshll.u32 @!p2 s14, $0x6  }
0x1d: {  	[dreg:$0xf] =	wrdreg s1;
	s1 =	sshrl.u32 @!p2 s13, $0x3;
	s0 =	sor.u32 @!p2 $0x1C09, s0  }
0x1e: {  	s13 =	simm.s32 $0x2500;
	[dreg:$0x10] =	wrdreg s0;
	s0 =	sshll.u32 @!p0 s14, $0x6  }
0x1f: {  	[dreg:$0x11] =	wrdreg s1;
	s1 =	simm.s32 $0x3;
	s0 =	sor.u32 @!p0 $0x1C09, s0  }
0x20: {  	s14 =	simm.s32 $0x2580;
	[dreg:$0x12] =	wrdreg s0;
	s0 =	sshrl.u32 @!p0 s7, $0x3  }
0x21: {  	s7 =	simm.s32 $0x1280;
	[dreg:$0x13] =	wrdreg s0;
	s0 =	simm.s32 $0x2  }
.LBB2_1:
0x22: {  	s11 =	rddreg [dreg:$0x4]  }
0x23: {  	s12 =	rddreg [dreg:$0xe]  }
0x24: {  	s29 =	rddreg [dreg:$0xf]  }
0x25: {  	[spmem:s29], [sflag:s12] =	dma.local @!p1 [hbm:s11], $0x1380  }
0x26: {  	s11 =	simm.s32 @!p1 $0x9  }
0x27: {  	_ =	swait.ge @!p1 [sflag:s11], $0x1380  }
0x28: {  	s12 =	rddreg [dreg:$0x10]  }
0x29: {  	[sflag:s11] =	ssyncset.done @!p1 $0x0;
	s29 =	rddreg [dreg:$0x11]  }
0x2a: {  	[sflag:s11] =	ssyncadd.s32 @!p1 $0xFFFFEC80;
	s11 =	rddreg [dreg:$0x5]  }
0x2b: {  	[spmem:s29], [sflag:s12] =	dma.local @!p2 [hbm:s11], $0x80  }
0x2c: {  	s11 =	simm.s32 @!p2 $0x9  }
0x2d: {  	_ =	swait.ge @!p2 [sflag:s11], $0x80  }
0x2e: {  	s12 =	rddreg [dreg:$0x12]  }
0x2f: {  	[sflag:s11] =	ssyncset.done @!p2 $0x0;
	s29 =	rddreg [dreg:$0x13]  }
0x30: {  	[sflag:s11] =	ssyncadd.s32 @!p2 $0xFFFFFF80;
	s11 =	rddreg [dreg:$0x7]  }
0x31: {  	[spmem:s29], [sflag:s12] =	dma.local @!p0 [hbm:s11], $0x1400  }
0x32: {  	s11 =	simm.s32 @!p0 $0x9  }
0x33: {  	_ =	swait.ge @!p0 [sflag:s11], $0x1400  }
0x34: {  	[sflag:s11] =	ssyncset.done @!p0 $0x0  }
0x35: {  	[sflag:s11] =	ssyncadd.s32 @!p0 $0xFFFFEC00  }
0x36: {  	[bflag:$0x0] =	sbarrier.arrive $0xFFFF  }
0x37: {  	s12 =	rddreg [dreg:$0x8]  }
0x38: {  	[tilespmem:s3], [sflag:$0x9] =	stream.linear.gather [hbm4b:s12+s3], $0x1400, $0x38;
	[tilespmem:$0x14800] =	vst v63  }
0x39: {  	_ =	swait.ge [sflag:s21], $0x1400  }
0x3a: {  	[sflag:s21] =	ssyncset.done $0x0  }
0x3b: {  	s12 =	simm.s32 $0x1400;
	s11 =	rddreg [dreg:$0x9];
	[sflag:s21] =	ssyncadd.s32 $0xFFFFEC00  }
0x3c: {  	[tilespmem:s12], [sflag:$0x9] =	stream.linear.gather [hbm4b:s11+s3], $0x1400, $0x38;
	[tilespmem:$0x14800] =	vst v63  }
0x3d: {  	_ =	swait.ge [sflag:s21], $0x1400  }
0x3e: {  	[sflag:s21] =	ssyncset.done $0x0  }
0x3f: {  	[sflag:s21] =	ssyncadd.s32 $0xFFFFEC00  }
0x40: {  	[tilespmem:s24], [sflag:$0x1] =	stream.indirect.gather [hbm4b:s4+s23], $0x40, s3, s23, $0xb8;
	[tilespmem:$0x14800] =	vst v63  }
0x41: {  	_ = 	snop  }
0x42: {  	[tilespmem:s25], [sflag:$0x2] =	stream.indirect.gather [hbm4b:s4+s23], $0x40, s23, s23, $0xb8;
	[tilespmem:$0x14800] =	vst v63  }
0x43: {  	s12 =	simm.s32 $0x100  }
0x44: {  	[tilespmem:s28], [sflag:$0x3] =	stream.indirect.gather [hbm4b:s4+s23], $0x40, s12, s23, $0xb8;
	[tilespmem:$0x14800] =	vst v63  }
0x45: {  	s12 =	simm.s32 $0x180  }
0x46: {  	[tilespmem:s30], [sflag:$0x4] =	stream.indirect.gather [hbm4b:s4+s23], $0x40, s12, s23, $0xb8;
	[tilespmem:$0x14800] =	vst v63  }
0x47: {  	_ =	swait.ge [sflag:s31], $0x2000  }
0x48: {  	[sflag:s31] =	ssyncset.done $0x0  }
0x49: {  	s12 =	simm.s32 $0x1400;
	[sflag:s31] =	ssyncadd.s32 $0xFFFFE000  }
0x4a: {  	[spmem:s2] =	stream.indirect.scatter.add.bf16 [tilespmem:s24], [sflag:$0x5], $0x40, s12, s23, $0xb8;
	[tilespmem:$0x14800] =	vst v63  }
0x4b: {  	_ =	swait.ge [sflag:s0], $0x2000  }
0x4c: {  	[sflag:s0] =	ssyncset.done $0x0  }
0x4d: {  	s12 =	simm.s32 $0x1480;
	[sflag:s0] =	ssyncadd.s32 $0xFFFFE000  }
0x4e: {  	[spmem:s2] =	stream.indirect.scatter.add.bf16 [tilespmem:s25], [sflag:$0x6], $0x40, s12, s23, $0xb8;
	[tilespmem:$0x14800] =	vst v63  }
0x4f: {  	_ =	swait.ge [sflag:s1], $0x2000  }
0x50: {  	[sflag:s1] =	ssyncset.done $0x0  }
0x51: {  	s12 =	simm.s32 $0x1500;
	[sflag:s1] =	ssyncadd.s32 $0xFFFFE000  }
0x52: {  	[spmem:s2] =	stream.indirect.scatter.add.bf16 [tilespmem:s28], [sflag:$0x7], $0x40, s12, s23, $0xb8;
	[tilespmem:$0x14800] =	vst v63  }
0x53: {  	_ =	swait.ge [sflag:s5], $0x2000  }
0x54: {  	[sflag:s5] =	ssyncset.done $0x0  }
0x55: {  	s12 =	simm.s32 $0x1580;
	[sflag:s5] =	ssyncadd.s32 $0xFFFFE000  }
0x56: {  	[spmem:s2] =	stream.indirect.scatter.add.bf16 [tilespmem:s30], [sflag:$0x8], $0x40, s12, s23, $0xb8;
	[tilespmem:$0x14800] =	vst v63  }
0x57: {  	_ =	swait.ge [sflag:s6], $0x2000  }
0x58: {  	[sflag:s6] =	ssyncset.done $0x0  }
0x59: {  	s12 =	simm.s32 $0x200;
	[sflag:s6] =	ssyncadd.s32 $0xFFFFE000  }
0x5a: {  	[tilespmem:s24], [sflag:$0x1] =	stream.indirect.gather [hbm4b:s4+s23], $0x40, s12, s23, $0xb8;
	[tilespmem:$0x14800] =	vst v63  }
0x5b: {  	_ =	swait.ge [sflag:s8], $0x2000  }
0x5c: {  	[sflag:s8] =	ssyncset.done $0x0  }
0x5d: {  	s12 =	simm.s32 $0x280;
	[sflag:s8] =	ssyncadd.s32 $0xFFFFE000  }
0x5e: {  	[tilespmem:s25], [sflag:$0x2] =	stream.indirect.gather [hbm4b:s4+s23], $0x40, s12, s23, $0xb8;
	[tilespmem:$0x14800] =	vst v63  }
0x5f: {  	_ =	swait.ge [sflag:s9], $0x2000  }
0x60: {  	[sflag:s9] =	ssyncset.done $0x0  }
0x61: {  	s12 =	simm.s32 $0x300;
	[sflag:s9] =	ssyncadd.s32 $0xFFFFE000  }
0x62: {  	[tilespmem:s28], [sflag:$0x3] =	stream.indirect.gather [hbm4b:s4+s23], $0x40, s12, s23, $0xb8;
	[tilespmem:$0x14800] =	vst v63  }
0x63: {  	_ =	swait.ge [sflag:s10], $0x2000  }
0x64: {  	[sflag:s10] =	ssyncset.done $0x0  }
0x65: {  	s29 =	simm.s32 $0x800;
	s11 =	simm.s32 $0x380;
	[sflag:s10] =	ssyncadd.s32 $0xFFFFE000  }
.LBB2_2:
0x66: {  	[tilespmem:s30], [sflag:$0x4] =	stream.indirect.gather [hbm4b:s4+s23], $0x40, s11, s23, $0xb8;
	[tilespmem:$0x14800] =	vst v63  }
0x67: {  	s11 =	smov.u32 s29  }
0x68: {  	p3 =	sne.s32 s29, $0x3800;
	s29 =	sadd.s32 $0x800, s29;
	_ =	swait.ge [sflag:s31], $0x2000  }
0x69: {  	s11 =	sshra.s32 s11, $0x2;
	[sflag:s31] =	ssyncset.done $0x0  }
0x6a: {  	s12 =	sadd.s32 $0x1400, s11;
	[sflag:s31] =	ssyncadd.s32 $0xFFFFE000  }
0x6b: {  	[spmem:s2] =	stream.indirect.scatter.add.bf16 [tilespmem:s24], [sflag:$0x5], $0x40, s12, s23, $0xb8;
	[tilespmem:$0x14800] =	vst v63  }
0x6c: {  	_ =	swait.ge [sflag:s0], $0x2000  }
0x6d: {  	[sflag:s0] =	ssyncset.done $0x0  }
0x6e: {  	s12 =	sadd.s32 $0x1480, s11;
	[sflag:s0] =	ssyncadd.s32 $0xFFFFE000  }
0x6f: {  	[spmem:s2] =	stream.indirect.scatter.add.bf16 [tilespmem:s25], [sflag:$0x6], $0x40, s12, s23, $0xb8;
	[tilespmem:$0x14800] =	vst v63  }
0x70: {  	_ =	swait.ge [sflag:s1], $0x2000  }
0x71: {  	[sflag:s1] =	ssyncset.done $0x0  }
0x72: {  	s12 =	sadd.s32 $0x1500, s11;
	[sflag:s1] =	ssyncadd.s32 $0xFFFFE000  }
0x73: {  	[spmem:s2] =	stream.indirect.scatter.add.bf16 [tilespmem:s28], [sflag:$0x7], $0x40, s12, s23, $0xb8;
	[tilespmem:$0x14800] =	vst v63  }
0x74: {  	_ =	swait.ge [sflag:s5], $0x2000  }
0x75: {  	[sflag:s5] =	ssyncset.done $0x0  }
0x76: {  	s12 =	sadd.s32 $0x1580, s11;
	[sflag:s5] =	ssyncadd.s32 $0xFFFFE000  }
0x77: {  	[spmem:s2] =	stream.indirect.scatter.add.bf16 [tilespmem:s30], [sflag:$0x8], $0x40, s12, s23, $0xb8;
	[tilespmem:$0x14800] =	vst v63  }
0x78: {  	_ =	swait.ge [sflag:s6], $0x2000  }
0x79: {  	[sflag:s6] =	ssyncset.done $0x0  }
0x7a: {  	s12 =	sadd.s32 $0x200, s11;
	[sflag:s6] =	ssyncadd.s32 $0xFFFFE000  }
0x7b: {  	[tilespmem:s24], [sflag:$0x1] =	stream.indirect.gather [hbm4b:s4+s23], $0x40, s12, s23, $0xb8;
	[tilespmem:$0x14800] =	vst v63  }
0x7c: {  	_ =	swait.ge [sflag:s8], $0x2000  }
0x7d: {  	[sflag:s8] =	ssyncset.done $0x0  }
0x7e: {  	s12 =	sadd.s32 $0x280, s11;
	[sflag:s8] =	ssyncadd.s32 $0xFFFFE000  }
0x7f: {  	[tilespmem:s25], [sflag:$0x2] =	stream.indirect.gather [hbm4b:s4+s23], $0x40, s12, s23, $0xb8;
	[tilespmem:$0x14800] =	vst v63  }
0x80: {  	_ =	swait.ge [sflag:s9], $0x2000  }
0x81: {  	[sflag:s9] =	ssyncset.done $0x0  }
.Ltmp0:
0x82: {  	s12 =	sadd.s32 $0x300, s11;
	[sflag:s9] =	ssyncadd.s32 $0xFFFFE000;
	(pc) =	sbr.rel @p3 .LBB2_2-.Ltmp0, $4  }
0x83: {  	[tilespmem:s28], [sflag:$0x3] =	stream.indirect.gather [hbm4b:s4+s23], $0x40, s12, s23, $0xb8;
	[tilespmem:$0x14800] =	vst v63  }
0x84: {  	_ =	swait.ge [sflag:s10], $0x2000  }
0x85: {  	[sflag:s10] =	ssyncset.done $0x0  }
0x86: {  	s11 =	sadd.s32 $0x380, s11;
	[sflag:s10] =	ssyncadd.s32 $0xFFFFE000  }
0x87: {  	[tilespmem:s30], [sflag:$0x4] =	stream.indirect.gather [hbm4b:s4+s23], $0x40, s11, s23, $0xb8;
	[tilespmem:$0x14800] =	vst v63  }
0x88: {  	_ =	swait.ge [sflag:s31], $0x2000  }
0x89: {  	[sflag:s31] =	ssyncset.done $0x0  }
0x8a: {  	s12 =	simm.s32 $0x2400;
	[sflag:s31] =	ssyncadd.s32 $0xFFFFE000  }
0x8b: {  	[spmem:s2] =	stream.indirect.scatter.add.bf16 [tilespmem:s24], [sflag:$0x5], $0x40, s12, s23, $0xb8;
	[tilespmem:$0x14800] =	vst v63  }
0x8c: {  	_ =	swait.ge [sflag:s0], $0x2000  }
0x8d: {  	[sflag:s0] =	ssyncset.done $0x0  }
0x8e: {  	s12 =	simm.s32 $0x2480;
	[sflag:s0] =	ssyncadd.s32 $0xFFFFE000  }
0x8f: {  	[spmem:s2] =	stream.indirect.scatter.add.bf16 [tilespmem:s25], [sflag:$0x6], $0x40, s12, s23, $0xb8;
	[tilespmem:$0x14800] =	vst v63  }
0x90: {  	_ =	swait.ge [sflag:s1], $0x2000  }
0x91: {  	[sflag:s1] =	ssyncset.done $0x0  }
0x92: {  	[sflag:s1] =	ssyncadd.s32 $0xFFFFE000  }
0x93: {  	[spmem:s2] =	stream.indirect.scatter.add.bf16 [tilespmem:s28], [sflag:$0x7], $0x40, s13, s23, $0xb8;
	[tilespmem:$0x14800] =	vst v63  }
0x94: {  	_ =	swait.ge [sflag:s5], $0x2000  }
0x95: {  	[sflag:s5] =	ssyncset.done $0x0  }
0x96: {  	[sflag:s5] =	ssyncadd.s32 $0xFFFFE000  }
0x97: {  	[spmem:s2] =	stream.indirect.scatter.add.bf16 [tilespmem:s30], [sflag:$0x8], $0x40, s14, s23, $0xb8;
	[tilespmem:$0x14800] =	vst v63  }
0x98: {  	_ =	swait.ge [sflag:s6], $0x2000  }
0x99: {  	[sflag:s6] =	ssyncset.done $0x0  }
0x9a: {  	[sflag:s6] =	ssyncadd.s32 $0xFFFFE000  }
0x9b: {  	[tilespmem:s24], [sflag:$0x1] =	stream.indirect.gather [hbm4b:s4+s23], $0x40, s15, s23, $0xb8;
	[tilespmem:$0x14800] =	vst v63  }
0x9c: {  	_ =	swait.ge [sflag:s8], $0x2000  }
0x9d: {  	[sflag:s8] =	ssyncset.done $0x0  }
0x9e: {  	[sflag:s8] =	ssyncadd.s32 $0xFFFFE000  }
0x9f: {  	[tilespmem:s25], [sflag:$0x2] =	stream.indirect.gather [hbm4b:s4+s23], $0x40, s7, s23, $0xb8;
	[tilespmem:$0x14800] =	vst v63  }
0xa0: {  	_ =	swait.ge [sflag:s9], $0x2000  }
0xa1: {  	[sflag:s9] =	ssyncset.done $0x0  }
0xa2: {  	[sflag:s9] =	ssyncadd.s32 $0xFFFFE000  }
0xa3: {  	[tilespmem:s28], [sflag:$0x3] =	stream.indirect.gather [hbm4b:s4+s23], $0x40, s22, s23, $0xb8;
	[tilespmem:$0x14800] =	vst v63  }
0xa4: {  	_ =	swait.ge [sflag:s10], $0x2000  }
0xa5: {  	[sflag:s10] =	ssyncset.done $0x0  }
0xa6: {  	[sflag:s10] =	ssyncadd.s32 $0xFFFFE000  }
0xa7: {  	[tilespmem:s30], [sflag:$0x4] =	stream.indirect.gather [hbm4b:s4+s23], $0x40, s16, s23, $0xb8;
	[tilespmem:$0x14800] =	vst v63  }
0xa8: {  	_ =	swait.ge [sflag:s31], $0x2000  }
0xa9: {  	[sflag:s31] =	ssyncset.done $0x0  }
0xaa: {  	[sflag:s31] =	ssyncadd.s32 $0xFFFFE000  }
0xab: {  	[spmem:s2] =	stream.indirect.scatter.add.bf16 [tilespmem:s24], [sflag:$0x5], $0x40, s17, s23, $0xb8;
	[tilespmem:$0x14800] =	vst v63  }
0xac: {  	_ =	swait.ge [sflag:s0], $0x2000  }
0xad: {  	[sflag:s0] =	ssyncset.done $0x0  }
0xae: {  	[sflag:s0] =	ssyncadd.s32 $0xFFFFE000  }
0xaf: {  	[spmem:s2] =	stream.indirect.scatter.add.bf16 [tilespmem:s25], [sflag:$0x6], $0x40, s18, s23, $0xb8;
	[tilespmem:$0x14800] =	vst v63  }
0xb0: {  	_ =	swait.ge [sflag:s1], $0x2000  }
0xb1: {  	[sflag:s1] =	ssyncset.done $0x0  }
0xb2: {  	[sflag:s1] =	ssyncadd.s32 $0xFFFFE000  }
0xb3: {  	[spmem:s2] =	stream.indirect.scatter.add.bf16 [tilespmem:s28], [sflag:$0x7], $0x40, s26, s23, $0xb8;
	[tilespmem:$0x14800] =	vst v63  }
0xb4: {  	_ =	swait.ge [sflag:s5], $0x2000  }
0xb5: {  	[sflag:s5] =	ssyncset.done $0x0  }
0xb6: {  	[sflag:s5] =	ssyncadd.s32 $0xFFFFE000  }
0xb7: {  	[spmem:s2] =	stream.indirect.scatter.add.bf16 [tilespmem:s30], [sflag:$0x8], $0x40, s19, s23, $0xb8;
	[tilespmem:$0x14800] =	vst v63  }
0xb8: {  	_ =	swait.ge [sflag:s6], $0x2000  }
0xb9: {  	[sflag:s6] =	ssyncset.done $0x0  }
0xba: {  	[sflag:s6] =	ssyncadd.s32 $0xFFFFE000  }
0xbb: {  	[tilespmem:s24], [sflag:$0x1] =	stream.indirect.gather [hbm4b:s4+s23], $0x40, s16, s23, $0xb8;
	[tilespmem:$0x14800] =	vst v63  }
0xbc: {  	_ =	swait.ge [sflag:s8], $0x2000  }
0xbd: {  	[sflag:s8] =	ssyncset.done $0x0  }
0xbe: {  	[sflag:s8] =	ssyncadd.s32 $0xFFFFE000  }
0xbf: {  	[tilespmem:s25], [sflag:$0x2] =	stream.indirect.gather [hbm4b:s4+s23], $0x40, s16, s23, $0xb8;
	[tilespmem:$0x14800] =	vst v63  }
0xc0: {  	_ =	swait.ge [sflag:s9], $0x2000  }
0xc1: {  	[sflag:s9] =	ssyncset.done $0x0  }
0xc2: {  	[sflag:s9] =	ssyncadd.s32 $0xFFFFE000  }
0xc3: {  	[tilespmem:s28], [sflag:$0x3] =	stream.indirect.gather [hbm4b:s4+s23], $0x40, s16, s23, $0xb8;
	[tilespmem:$0x14800] =	vst v63  }
0xc4: {  	_ =	swait.ge [sflag:s10], $0x2000  }
0xc5: {  	[sflag:s10] =	ssyncset.done $0x0  }
0xc6: {  	[sflag:s10] =	ssyncadd.s32 $0xFFFFE000  }
0xc7: {  	[tilespmem:s30], [sflag:$0x4] =	stream.indirect.gather [hbm4b:s4+s23], $0x40, s16, s23, $0xb8;
	[tilespmem:$0x14800] =	vst v63  }
0xc8: {  	_ =	swait.ge [sflag:s31], $0x2000  }
0xc9: {  	[sflag:s31] =	ssyncset.done $0x0  }
0xca: {  	[sflag:s31] =	ssyncadd.s32 $0xFFFFE000  }
0xcb: {  	_ =	swait.ge [sflag:s0], $0x2000  }
0xcc: {  	[sflag:s0] =	ssyncset.done $0x0  }
0xcd: {  	[sflag:s0] =	ssyncadd.s32 $0xFFFFE000  }
0xce: {  	_ =	swait.ge [sflag:s1], $0x2000  }
0xcf: {  	[sflag:s1] =	ssyncset.done $0x0  }
0xd0: {  	[sflag:s1] =	ssyncadd.s32 $0xFFFFE000  }
0xd1: {  	_ =	swait.ge [sflag:s5], $0x2000  }
0xd2: {  	[sflag:s5] =	ssyncset.done $0x0  }
0xd3: {  	s11 =	simm.s32 $0x0;
	s12 =	rddreg [dreg:$0xa];
	[sflag:s5] =	ssyncadd.s32 $0xFFFFE000  }
0xd4: {  	[tilespmem:s11], [sflag:$0x9] =	stream.linear.gather [hbm4b:s12+s11], $0x1400, $0x38;
	[tilespmem:$0x14800] =	vst v63  }
0xd5: {  	_ =	swait.ge [sflag:s21], $0x1400  }
0xd6: {  	[sflag:s21] =	ssyncset.done $0x0  }
0xd7: {  	s29 =	simm.s32 $0x1400;
	s12 =	rddreg [dreg:$0xb];
	[sflag:s21] =	ssyncadd.s32 $0xFFFFEC00  }
0xd8: {  	[tilespmem:s29], [sflag:$0x9] =	stream.linear.gather [hbm4b:s12+s11], $0x1400, $0x38;
	[tilespmem:$0x14800] =	vst v63  }
0xd9: {  	_ =	swait.ge [sflag:s21], $0x1400  }
0xda: {  	[sflag:s21] =	ssyncset.done $0x0  }
0xdb: {  	[sflag:s21] =	ssyncadd.s32 $0xFFFFEC00  }
0xdc: {  	[tilespmem:s24], [sflag:$0x1] =	stream.indirect.gather [hbm4b:s4+s23], $0x40, s11, s23, $0xb8;
	[tilespmem:$0x14800] =	vst v63  }
0xdd: {  	_ = 	snop  }
0xde: {  	[tilespmem:s25], [sflag:$0x2] =	stream.indirect.gather [hbm4b:s4+s23], $0x40, s23, s23, $0xb8;
	[tilespmem:$0x14800] =	vst v63  }
0xdf: {  	s12 =	simm.s32 $0x100  }
0xe0: {  	[tilespmem:s28], [sflag:$0x3] =	stream.indirect.gather [hbm4b:s4+s23], $0x40, s12, s23, $0xb8;
	[tilespmem:$0x14800] =	vst v63  }
0xe1: {  	s12 =	simm.s32 $0x180  }
0xe2: {  	[tilespmem:s30], [sflag:$0x4] =	stream.indirect.gather [hbm4b:s4+s23], $0x40, s12, s23, $0xb8;
	[tilespmem:$0x14800] =	vst v63  }
0xe3: {  	_ =	swait.ge [sflag:s31], $0x2000  }
0xe4: {  	[sflag:s31] =	ssyncset.done $0x0  }
0xe5: {  	s12 =	simm.s32 $0x1400;
	[sflag:s31] =	ssyncadd.s32 $0xFFFFE000  }
0xe6: {  	[spmem:s2] =	stream.indirect.scatter.add.bf16 [tilespmem:s24], [sflag:$0x5], $0x40, s12, s23, $0xb8;
	[tilespmem:$0x14800] =	vst v63  }
0xe7: {  	_ =	swait.ge [sflag:s0], $0x2000  }
0xe8: {  	[sflag:s0] =	ssyncset.done $0x0  }
0xe9: {  	s12 =	simm.s32 $0x1480;
	[sflag:s0] =	ssyncadd.s32 $0xFFFFE000  }
0xea: {  	[spmem:s2] =	stream.indirect.scatter.add.bf16 [tilespmem:s25], [sflag:$0x6], $0x40, s12, s23, $0xb8;
	[tilespmem:$0x14800] =	vst v63  }
0xeb: {  	_ =	swait.ge [sflag:s1], $0x2000  }
0xec: {  	[sflag:s1] =	ssyncset.done $0x0  }
0xed: {  	s12 =	simm.s32 $0x1500;
	[sflag:s1] =	ssyncadd.s32 $0xFFFFE000  }
0xee: {  	[spmem:s2] =	stream.indirect.scatter.add.bf16 [tilespmem:s28], [sflag:$0x7], $0x40, s12, s23, $0xb8;
	[tilespmem:$0x14800] =	vst v63  }
0xef: {  	_ =	swait.ge [sflag:s5], $0x2000  }
0xf0: {  	[sflag:s5] =	ssyncset.done $0x0  }
0xf1: {  	s12 =	simm.s32 $0x1580;
	[sflag:s5] =	ssyncadd.s32 $0xFFFFE000  }
0xf2: {  	[spmem:s2] =	stream.indirect.scatter.add.bf16 [tilespmem:s30], [sflag:$0x8], $0x40, s12, s23, $0xb8;
	[tilespmem:$0x14800] =	vst v63  }
0xf3: {  	_ =	swait.ge [sflag:s6], $0x2000  }
0xf4: {  	[sflag:s6] =	ssyncset.done $0x0  }
0xf5: {  	s12 =	simm.s32 $0x200;
	[sflag:s6] =	ssyncadd.s32 $0xFFFFE000  }
0xf6: {  	[tilespmem:s24], [sflag:$0x1] =	stream.indirect.gather [hbm4b:s4+s23], $0x40, s12, s23, $0xb8;
	[tilespmem:$0x14800] =	vst v63  }
0xf7: {  	_ =	swait.ge [sflag:s8], $0x2000  }
0xf8: {  	[sflag:s8] =	ssyncset.done $0x0  }
0xf9: {  	s12 =	simm.s32 $0x280;
	[sflag:s8] =	ssyncadd.s32 $0xFFFFE000  }
0xfa: {  	[tilespmem:s25], [sflag:$0x2] =	stream.indirect.gather [hbm4b:s4+s23], $0x40, s12, s23, $0xb8;
	[tilespmem:$0x14800] =	vst v63  }
0xfb: {  	_ =	swait.ge [sflag:s9], $0x2000  }
0xfc: {  	[sflag:s9] =	ssyncset.done $0x0  }
0xfd: {  	s12 =	simm.s32 $0x300;
	[sflag:s9] =	ssyncadd.s32 $0xFFFFE000  }
0xfe: {  	[tilespmem:s28], [sflag:$0x3] =	stream.indirect.gather [hbm4b:s4+s23], $0x40, s12, s23, $0xb8;
	[tilespmem:$0x14800] =	vst v63  }
0xff: {  	_ =	swait.ge [sflag:s10], $0x2000  }
0x100: {  	[sflag:s10] =	ssyncset.done $0x0  }
0x101: {  	s29 =	simm.s32 $0x800;
	s11 =	simm.s32 $0x380;
	[sflag:s10] =	ssyncadd.s32 $0xFFFFE000  }
.LBB2_4:
0x102: {  	[tilespmem:s30], [sflag:$0x4] =	stream.indirect.gather [hbm4b:s4+s23], $0x40, s11, s23, $0xb8;
	[tilespmem:$0x14800] =	vst v63  }
0x103: {  	s11 =	smov.u32 s29  }
0x104: {  	p3 =	sne.s32 s29, $0x3800;
	s29 =	sadd.s32 $0x800, s29;
	_ =	swait.ge [sflag:s31], $0x2000  }
0x105: {  	s11 =	sshra.s32 s11, $0x2;
	[sflag:s31] =	ssyncset.done $0x0  }
0x106: {  	s12 =	sadd.s32 $0x1400, s11;
	[sflag:s31] =	ssyncadd.s32 $0xFFFFE000  }
0x107: {  	[spmem:s2] =	stream.indirect.scatter.add.bf16 [tilespmem:s24], [sflag:$0x5], $0x40, s12, s23, $0xb8;
	[tilespmem:$0x14800] =	vst v63  }
0x108: {  	_ =	swait.ge [sflag:s0], $0x2000  }
0x109: {  	[sflag:s0] =	ssyncset.done $0x0  }
0x10a: {  	s12 =	sadd.s32 $0x1480, s11;
	[sflag:s0] =	ssyncadd.s32 $0xFFFFE000  }
0x10b: {  	[spmem:s2] =	stream.indirect.scatter.add.bf16 [tilespmem:s25], [sflag:$0x6], $0x40, s12, s23, $0xb8;
	[tilespmem:$0x14800] =	vst v63  }
0x10c: {  	_ =	swait.ge [sflag:s1], $0x2000  }
0x10d: {  	[sflag:s1] =	ssyncset.done $0x0  }
0x10e: {  	s12 =	sadd.s32 $0x1500, s11;
	[sflag:s1] =	ssyncadd.s32 $0xFFFFE000  }
0x10f: {  	[spmem:s2] =	stream.indirect.scatter.add.bf16 [tilespmem:s28], [sflag:$0x7], $0x40, s12, s23, $0xb8;
	[tilespmem:$0x14800] =	vst v63  }
0x110: {  	_ =	swait.ge [sflag:s5], $0x2000  }
0x111: {  	[sflag:s5] =	ssyncset.done $0x0  }
0x112: {  	s12 =	sadd.s32 $0x1580, s11;
	[sflag:s5] =	ssyncadd.s32 $0xFFFFE000  }
0x113: {  	[spmem:s2] =	stream.indirect.scatter.add.bf16 [tilespmem:s30], [sflag:$0x8], $0x40, s12, s23, $0xb8;
	[tilespmem:$0x14800] =	vst v63  }
0x114: {  	_ =	swait.ge [sflag:s6], $0x2000  }
0x115: {  	[sflag:s6] =	ssyncset.done $0x0  }
0x116: {  	s12 =	sadd.s32 $0x200, s11;
	[sflag:s6] =	ssyncadd.s32 $0xFFFFE000  }
0x117: {  	[tilespmem:s24], [sflag:$0x1] =	stream.indirect.gather [hbm4b:s4+s23], $0x40, s12, s23, $0xb8;
	[tilespmem:$0x14800] =	vst v63  }
0x118: {  	_ =	swait.ge [sflag:s8], $0x2000  }
0x119: {  	[sflag:s8] =	ssyncset.done $0x0  }
0x11a: {  	s12 =	sadd.s32 $0x280, s11;
	[sflag:s8] =	ssyncadd.s32 $0xFFFFE000  }
0x11b: {  	[tilespmem:s25], [sflag:$0x2] =	stream.indirect.gather [hbm4b:s4+s23], $0x40, s12, s23, $0xb8;
	[tilespmem:$0x14800] =	vst v63  }
0x11c: {  	_ =	swait.ge [sflag:s9], $0x2000  }
0x11d: {  	[sflag:s9] =	ssyncset.done $0x0  }
.Ltmp1:
0x11e: {  	s12 =	sadd.s32 $0x300, s11;
	[sflag:s9] =	ssyncadd.s32 $0xFFFFE000;
	(pc) =	sbr.rel @p3 .LBB2_4-.Ltmp1, $4  }
0x11f: {  	[tilespmem:s28], [sflag:$0x3] =	stream.indirect.gather [hbm4b:s4+s23], $0x40, s12, s23, $0xb8;
	[tilespmem:$0x14800] =	vst v63  }
0x120: {  	_ =	swait.ge [sflag:s10], $0x2000  }
0x121: {  	[sflag:s10] =	ssyncset.done $0x0  }
0x122: {  	s11 =	sadd.s32 $0x380, s11;
	[sflag:s10] =	ssyncadd.s32 $0xFFFFE000  }
0x123: {  	[tilespmem:s30], [sflag:$0x4] =	stream.indirect.gather [hbm4b:s4+s23], $0x40, s11, s23, $0xb8;
	[tilespmem:$0x14800] =	vst v63  }
0x124: {  	_ =	swait.ge [sflag:s31], $0x2000  }
0x125: {  	[sflag:s31] =	ssyncset.done $0x0  }
0x126: {  	s12 =	simm.s32 $0x2400;
	[sflag:s31] =	ssyncadd.s32 $0xFFFFE000  }
0x127: {  	[spmem:s2] =	stream.indirect.scatter.add.bf16 [tilespmem:s24], [sflag:$0x5], $0x40, s12, s23, $0xb8;
	[tilespmem:$0x14800] =	vst v63  }
0x128: {  	_ =	swait.ge [sflag:s0], $0x2000  }
0x129: {  	[sflag:s0] =	ssyncset.done $0x0  }
0x12a: {  	s29 =	simm.s32 $0x2480;
	[sflag:s0] =	ssyncadd.s32 $0xFFFFE000  }
0x12b: {  	[spmem:s2] =	stream.indirect.scatter.add.bf16 [tilespmem:s25], [sflag:$0x6], $0x40, s29, s23, $0xb8;
	[tilespmem:$0x14800] =	vst v63  }
0x12c: {  	_ =	swait.ge [sflag:s1], $0x2000  }
0x12d: {  	[sflag:s1] =	ssyncset.done $0x0  }
0x12e: {  	[sflag:s1] =	ssyncadd.s32 $0xFFFFE000  }
0x12f: {  	[spmem:s2] =	stream.indirect.scatter.add.bf16 [tilespmem:s28], [sflag:$0x7], $0x40, s13, s23, $0xb8;
	[tilespmem:$0x14800] =	vst v63  }
0x130: {  	_ =	swait.ge [sflag:s5], $0x2000  }
0x131: {  	[sflag:s5] =	ssyncset.done $0x0  }
0x132: {  	[sflag:s5] =	ssyncadd.s32 $0xFFFFE000  }
0x133: {  	[spmem:s2] =	stream.indirect.scatter.add.bf16 [tilespmem:s30], [sflag:$0x8], $0x40, s14, s23, $0xb8;
	[tilespmem:$0x14800] =	vst v63  }
0x134: {  	_ =	swait.ge [sflag:s6], $0x2000  }
0x135: {  	[sflag:s6] =	ssyncset.done $0x0  }
0x136: {  	[sflag:s6] =	ssyncadd.s32 $0xFFFFE000  }
0x137: {  	[tilespmem:s24], [sflag:$0x1] =	stream.indirect.gather [hbm4b:s4+s23], $0x40, s15, s23, $0xb8;
	[tilespmem:$0x14800] =	vst v63  }
0x138: {  	_ =	swait.ge [sflag:s8], $0x2000  }
0x139: {  	[sflag:s8] =	ssyncset.done $0x0  }
0x13a: {  	[sflag:s8] =	ssyncadd.s32 $0xFFFFE000  }
0x13b: {  	[tilespmem:s25], [sflag:$0x2] =	stream.indirect.gather [hbm4b:s4+s23], $0x40, s7, s23, $0xb8;
	[tilespmem:$0x14800] =	vst v63  }
0x13c: {  	_ =	swait.ge [sflag:s9], $0x2000  }
0x13d: {  	[sflag:s9] =	ssyncset.done $0x0  }
0x13e: {  	[sflag:s9] =	ssyncadd.s32 $0xFFFFE000  }
0x13f: {  	[tilespmem:s28], [sflag:$0x3] =	stream.indirect.gather [hbm4b:s4+s23], $0x40, s22, s23, $0xb8;
	[tilespmem:$0x14800] =	vst v63  }
0x140: {  	_ =	swait.ge [sflag:s10], $0x2000  }
0x141: {  	[sflag:s10] =	ssyncset.done $0x0  }
0x142: {  	[sflag:s10] =	ssyncadd.s32 $0xFFFFE000  }
0x143: {  	[tilespmem:s30], [sflag:$0x4] =	stream.indirect.gather [hbm4b:s4+s23], $0x40, s16, s23, $0xb8;
	[tilespmem:$0x14800] =	vst v63  }
0x144: {  	_ =	swait.ge [sflag:s31], $0x2000  }
0x145: {  	[sflag:s31] =	ssyncset.done $0x0  }
0x146: {  	[sflag:s31] =	ssyncadd.s32 $0xFFFFE000  }
0x147: {  	[spmem:s2] =	stream.indirect.scatter.add.bf16 [tilespmem:s24], [sflag:$0x5], $0x40, s17, s23, $0xb8;
	[tilespmem:$0x14800] =	vst v63  }
0x148: {  	_ =	swait.ge [sflag:s0], $0x2000  }
0x149: {  	[sflag:s0] =	ssyncset.done $0x0  }
0x14a: {  	[sflag:s0] =	ssyncadd.s32 $0xFFFFE000  }
0x14b: {  	[spmem:s2] =	stream.indirect.scatter.add.bf16 [tilespmem:s25], [sflag:$0x6], $0x40, s18, s23, $0xb8;
	[tilespmem:$0x14800] =	vst v63  }
0x14c: {  	_ =	swait.ge [sflag:s1], $0x2000  }
0x14d: {  	[sflag:s1] =	ssyncset.done $0x0  }
0x14e: {  	[sflag:s1] =	ssyncadd.s32 $0xFFFFE000  }
0x14f: {  	[spmem:s2] =	stream.indirect.scatter.add.bf16 [tilespmem:s28], [sflag:$0x7], $0x40, s26, s23, $0xb8;
	[tilespmem:$0x14800] =	vst v63  }
0x150: {  	_ =	swait.ge [sflag:s5], $0x2000  }
0x151: {  	[sflag:s5] =	ssyncset.done $0x0  }
0x152: {  	[sflag:s5] =	ssyncadd.s32 $0xFFFFE000  }
0x153: {  	[spmem:s2] =	stream.indirect.scatter.add.bf16 [tilespmem:s30], [sflag:$0x8], $0x40, s19, s23, $0xb8;
	[tilespmem:$0x14800] =	vst v63  }
0x154: {  	_ =	swait.ge [sflag:s6], $0x2000  }
0x155: {  	[sflag:s6] =	ssyncset.done $0x0  }
0x156: {  	[sflag:s6] =	ssyncadd.s32 $0xFFFFE000  }
0x157: {  	[tilespmem:s24], [sflag:$0x1] =	stream.indirect.gather [hbm4b:s4+s23], $0x40, s16, s23, $0xb8;
	[tilespmem:$0x14800] =	vst v63  }
0x158: {  	_ =	swait.ge [sflag:s8], $0x2000  }
0x159: {  	[sflag:s8] =	ssyncset.done $0x0  }
0x15a: {  	[sflag:s8] =	ssyncadd.s32 $0xFFFFE000  }
0x15b: {  	[tilespmem:s25], [sflag:$0x2] =	stream.indirect.gather [hbm4b:s4+s23], $0x40, s16, s23, $0xb8;
	[tilespmem:$0x14800] =	vst v63  }
0x15c: {  	_ =	swait.ge [sflag:s9], $0x2000  }
0x15d: {  	[sflag:s9] =	ssyncset.done $0x0  }
0x15e: {  	[sflag:s9] =	ssyncadd.s32 $0xFFFFE000  }
0x15f: {  	[tilespmem:s28], [sflag:$0x3] =	stream.indirect.gather [hbm4b:s4+s23], $0x40, s16, s23, $0xb8;
	[tilespmem:$0x14800] =	vst v63  }
0x160: {  	_ =	swait.ge [sflag:s10], $0x2000  }
0x161: {  	[sflag:s10] =	ssyncset.done $0x0  }
0x162: {  	[sflag:s10] =	ssyncadd.s32 $0xFFFFE000  }
0x163: {  	[tilespmem:s30], [sflag:$0x4] =	stream.indirect.gather [hbm4b:s4+s23], $0x40, s16, s23, $0xb8;
	[tilespmem:$0x14800] =	vst v63  }
0x164: {  	_ =	swait.ge [sflag:s31], $0x2000  }
0x165: {  	[sflag:s31] =	ssyncset.done $0x0  }
0x166: {  	[sflag:s31] =	ssyncadd.s32 $0xFFFFE000  }
0x167: {  	_ =	swait.ge [sflag:s0], $0x2000  }
0x168: {  	[sflag:s0] =	ssyncset.done $0x0  }
0x169: {  	[sflag:s0] =	ssyncadd.s32 $0xFFFFE000  }
0x16a: {  	_ =	swait.ge [sflag:s1], $0x2000  }
0x16b: {  	[sflag:s1] =	ssyncset.done $0x0  }
0x16c: {  	[sflag:s1] =	ssyncadd.s32 $0xFFFFE000  }
0x16d: {  	_ =	swait.ge [sflag:s5], $0x2000  }
0x16e: {  	[sflag:s5] =	ssyncset.done $0x0  }
0x16f: {  	[sflag:s5] =	ssyncadd.s32 $0xFFFFE000  }
0x170: {  	s12 =	stileid.u32;
	[bflag:$0x0] =	sbarrier.arrive $0xFFFF  }
0x171: {  	s11 =	sshll.u32 s12, $0x6;
	s12 =	rddreg [dreg:$0x6]  }
0x172: {  	s11 =	sor.u32 $0x1C09, s11;
	s29 =	rddreg [dreg:$0xd];
	s12 =	sshrl.u32 s12, $0x3  }
0x173: {  	[hbm:s29], [sflag:s11] =	dma.local [spmem:s12], $0x1400  }
0x174: {  	_ =	swait.ge [sflag:s21], $0x1400  }
0x175: {  	s20 =	sadd.s32 $0x1, s20;
	s29 =	rddreg [dreg:$0xc]  }
0x176: {  	p3 =	sne.s32 s20, s29  }
.Ltmp2:
0x177: {  	_ = 	snop;
	(pc) =	sbr.rel @p3 .LBB2_1-.Ltmp2, $3  }
0x178: {  	_ =	sdelay $0x1  }
0x179: {  	[sflag:s21] =	ssyncset.done $0x0  }
0x17a: {  	[sflag:s21] =	ssyncadd.s32 $0xFFFFEC00  }
0x17b: {  	_ =	sfence.sel $0x180000  }
0x17c: {  	[bflag:$0x0] =	sbarrier.arrive $0xFFFF  }
0x17d: {  	_ =	strace $0x9000004A  }
0x17e: {  	s0 =	stileid.u32;
	[bflag:$0x2] =	sbarrier.arrive $0xFFFF  }
0x17f: {  	p0 =	sne.s32 s0, $0x0;
	s0 =	rddreg [dreg:$0x3]  }
0x180: {  	s0 =	sadd.s32 @!p0 $0x100000, s0  }
0x181: {  	[sflag:s0] =	ssyncadd.tile.s32 @!p0 $0x1;
	_ =	shalt  }
.Lfunc_end2:
_tile_overlayer_lowered:
.L_overlay_start_2:
0x182: {  	(tag) =	ssettag $0x2  }
0x183: {  	s0 =	rddreg [dreg:$0x0];
	s2 =	stileid.u32  }
0x184: {  	s1 =	rddreg [dreg:$0x1];
	p0 =	sne.s32 s2, $0x0  }
0x185: {  	s3 =	rddreg [dreg:$0x2];
	[bflag:$0x3] =	sbarrier.arrive $0xFFFF;
	s2 =	simm.s32 @!p0 $0x1C09  }
0x186: {  	[timem:s3], [sflag:s2] =	dma.local @!p0 [hbm:s0], s1  }
0x187: {  	s0 =	simm.s32 @!p0 $0x9  }
0x188: {  	_ =	swait.ge @!p0 [sflag:s0], s1  }
0x189: {  	s1 =	ssub.s32 @!p0 $0x0, s1;
	[sflag:s0] =	ssyncset.done @!p0 $0x0  }
0x18a: {  	[sflag:s0] =	ssyncadd.s32 @!p0 s1  }
0x18b: {  	[bflag:$0x3] =	sbarrier.arrive $0xFFFF  }
0x18c: {  	_ =	shalt  }

// kernel: kernel.13.cloned.1.call-start
scs
__scs_entry_jumppad:
0x0: {  	(pc) =	sbr.rel $0x88, $3  }
0x1: {  	(tag) =	ssettag $0x0;
	lr =	simm.s32 $0x1  }
0x2: {  	[smem:$0x3F9D] =	sst lr;
	_ =	strace $0xD0000000  }
0x3: {  	_ = 	snop  }
0x4: {  	_ = 	snop  }
0x5: {  	_ = 	snop  }
0x6: {  	_ = 	snop  }
0x7: {  	_ = 	snop  }
__scs_overlays_trampoline_lowered:
0x8: {  	[smem:$0x3FAC] =	sst s0  }
0x9: {  	[smem:$0x3FAD] =	sst s1  }
0xa: {  	[smem:$0x3FAE] =	sst s2  }
0xb: {  	[smem:$0x3FAF] =	sst s3  }
0xc: {  	[smem:$0x3FB0] =	sst s4  }
0xd: {  	[smem:$0x3FB1] =	sst s5  }
0xe: {  	[smem:$0x3FB2] =	sst s6  }
0xf: {  	[smem:$0x3FB3] =	sst s7  }
0x10: {  	[smem:$0x3FB4] =	sst s8  }
0x11: {  	[smem:$0x3FB5] =	sst s9;
	s0 =	simm.s32 @!p0 $0x0  }
0x12: {  	s1 =	sld [smem:$0x3F9B];
	s0 =	simm.s32 @p0 $0x1  }
0x13: {  	[smem:$0x3FB6] =	sst s0;
	s0 =	simm.s32 @!p1 $0x0  }
0x14: {  	s2 =	sld [smem:$0x3F9A];
	s0 =	simm.s32 @p1 $0x1  }
0x15: {  	[smem:$0x3FB7] =	sst s0;
	s0 =	simm.s32 @!p2 $0x0  }
0x16: {  	s3 =	sld [smem:$0x3FDB];
	s0 =	simm.s32 @p2 $0x1  }
0x17: {  	s4 =	simm.s32 $0x1BF5;
	[smem:$0x3FB9] =	sst s0  }
0x18: {  	s0 =	sld [smem:$0x3F9C];
	_ =	swait.ge [sflag:s4], $0x0  }
0x19: {  	s7 =	sld [smem:$0x3F9D]  }
0x1a: {  	s8 =	sadd.s32 $0xFFFFE003, lr  }
0x1b: {  	s9 =	sadd.s32 $0xFFFFFEF7, lr;
	s5 =	simm.s32 $0xFFFFFFFF;
	p2 =	slt.u32 s8, $0xFFFFF086  }
0x1c: {  	p1 =	slt.u32 s9, $0xF7A;
	s5 =	simm.s32 @!p2 $0x0  }
0x1d: {  	s5 =	simm.s32 @p1 $0x1;
	p0 =	seq.s32 s7, s2  }
0x1e: {  	s7 =	smul.u32 @!p0 $0xF7A, s2;
	p2 =	seq.s32 @!p0 s5, $0x0  }
0x1f: {  	s9 =	smul.u32 $0xF7A, s1;
	s8 =	simm.s32 @!p0 $0x1BF5;
	p2 =	por !p2, p0  }
0x20: {  	[sflag:s8] =	ssyncset.s32 @!p0 $0xFFFFF086;
	s6 =	sadd.s32 @!p0 s3, s7;
	s7 =	simm.s32 @!p0 $0x108  }
0x21: {  	s3 =	sadd.s32 s3, s9;
	s6 =	sadd.s32 @!p0 $0x88, s6;
	s7 =	simm.s32 @p2 $0x1082  }
0x22: {  	[simem:s7], [sflag:s8] =	dma.local @!p0 [hbm:s6], $0xF7A  }
0x23: {  	s9 =	sor.u32 $0xD0000000, s2;
	s6 =	simm.s32 $0x108;
	_ =	swait.ge @!p0 [sflag:s8], $0x0  }
0x24: {  	s3 =	sadd.s32 $0x88, s3;
	s6 =	simm.s32 @!p1 $0x1082;
	[sflag:s4] =	ssyncset.s32 $0xFFFFF086  }
0x25: {  	[simem:s6], [sflag:s4] =	dma.local [hbm:s3], $0xF7A  }
0x26: {  	[smem:$0x3F9D] =	sst s1;
	(tag) =	ssettag s2;
	_ =	strace s9  }
0x27: {  	s1 =	sld [smem:$0x3FAD]  }
0x28: {  	s2 =	sld [smem:$0x3FAE]  }
0x29: {  	s4 =	sld [smem:$0x3FB0]  }
0x2a: {  	p0 =	seq.s32 s5, $0x0;
	s5 =	sld [smem:$0x3FB1]  }
0x2b: {  	s6 =	sld [smem:$0x3FB2]  }
0x2c: {  	s7 =	sld [smem:$0x3FB3]  }
0x2d: {  	s3 =	simm.s32 $0x108;
	s8 =	sld [smem:$0x3FB4]  }
0x2e: {  	s3 =	simm.s32 @!p0 $0x1082;
	s9 =	sld [smem:$0x3FB5]  }
0x2f: {  	lr =	sadd.s32 s0, s3;
	s0 =	sld [smem:$0x3FAC]  }
0x30: {  	s3 =	sld [smem:$0x3FAF]  }
0x31: {  	[smem:$0x3FB8] =	sst s10  }
0x32: {  	s10 =	sld [smem:$0x3FB6];
	_ =	sdelay $0x3  }
0x33: {  	p0 =	seq.s32 s10, $0x1;
	s10 =	sld [smem:$0x3FB8];
	_ =	sdelay $0x3  }
0x34: {  	[smem:$0x3FB8] =	sst s10  }
0x35: {  	s10 =	sld [smem:$0x3FB7];
	_ =	sdelay $0x3  }
0x36: {  	p1 =	seq.s32 s10, $0x1;
	s10 =	sld [smem:$0x3FB8];
	_ =	sdelay $0x3  }
0x37: {  	[smem:$0x3FB8] =	sst s10  }
0x38: {  	s10 =	sld [smem:$0x3FB9]  }
0x39: {  	_ = 	snop;
	(pc) =	sbr.ind lr, $3  }
0x3a: {  	_ = 	snop  }
0x3b: {  	_ = 	snop  }
0x3c: {  	p2 =	seq.s32 s10, $0x1;
	s10 =	sld [smem:$0x3FB8]  }
0x3d: {  	_ =	shalt  }
0x3e: {  	_ =	shalt  }
0x3f: {  	_ =	shalt  }
0x40: {  	_ =	shalt  }
0x41: {  	_ =	shalt  }
0x42: {  	_ =	shalt  }
0x43: {  	_ =	shalt  }
0x44: {  	_ =	shalt  }
0x45: {  	_ =	shalt  }
0x46: {  	_ =	shalt  }
0x47: {  	_ =	shalt  }
0x48: {  	_ =	shalt  }
0x49: {  	_ =	shalt  }
0x4a: {  	_ =	shalt  }
0x4b: {  	_ =	shalt  }
0x4c: {  	_ =	shalt  }
0x4d: {  	_ =	shalt  }
0x4e: {  	_ =	shalt  }
0x4f: {  	_ =	shalt  }
0x50: {  	_ =	shalt  }
0x51: {  	_ =	shalt  }
0x52: {  	_ =	shalt  }
0x53: {  	_ =	shalt  }
0x54: {  	_ =	shalt  }
0x55: {  	_ =	shalt  }
0x56: {  	_ =	shalt  }
0x57: {  	_ =	shalt  }
0x58: {  	_ =	shalt  }
0x59: {  	_ =	shalt  }
0x5a: {  	_ =	shalt  }
0x5b: {  	_ =	shalt  }
0x5c: {  	_ =	shalt  }
0x5d: {  	_ =	shalt  }
0x5e: {  	_ =	shalt  }
0x5f: {  	_ =	shalt  }
0x60: {  	_ =	shalt  }
0x61: {  	_ =	shalt  }
0x62: {  	_ =	shalt  }
0x63: {  	_ =	shalt  }
0x64: {  	_ =	shalt  }
0x65: {  	_ =	shalt  }
0x66: {  	_ =	shalt  }
0x67: {  	_ =	shalt  }
0x68: {  	_ =	shalt  }
0x69: {  	_ =	shalt  }
0x6a: {  	_ =	shalt  }
0x6b: {  	_ =	shalt  }
0x6c: {  	_ =	shalt  }
0x6d: {  	_ =	shalt  }
0x6e: {  	_ =	shalt  }
0x6f: {  	_ =	shalt  }
0x70: {  	_ =	shalt  }
0x71: {  	_ =	shalt  }
0x72: {  	_ =	shalt  }
0x73: {  	_ =	shalt  }
0x74: {  	_ =	shalt  }
0x75: {  	_ =	shalt  }
0x76: {  	_ =	shalt  }
0x77: {  	_ =	shalt  }
0x78: {  	_ =	shalt  }
0x79: {  	_ =	shalt  }
0x7a: {  	_ =	shalt  }
0x7b: {  	_ =	shalt  }
0x7c: {  	_ =	shalt  }
0x7d: {  	_ =	shalt  }
0x7e: {  	_ =	shalt  }
0x7f: {  	_ =	shalt  }
0x80: {  	_ =	shalt  }
0x81: {  	_ =	shalt  }
0x82: {  	_ =	shalt  }
0x83: {  	_ =	shalt  }
0x84: {  	_ =	shalt  }
0x85: {  	_ =	shalt  }
0x86: {  	_ =	shalt  }
0x87: {  	_ =	shalt  }
.Lfunc_end0:
.L_simem_size_0:
called_computation.2_lowered:
.L_overlay_start_0:
0x88: {  	s2 =	sld [smem:$0x3FD9]  }
0x89: {  	s3 =	sld [smem:$0x3FFE];
	_ =	sdelay $0x1  }
0x8a: {  	s1 =	srdreg.scid  }
0x8b: {  	s0 =	sand.u32 $0x1, s1  }
0x8c: {  	s17 =	sshll.u32 s0, $0xA;
	s2 =	sadd.s32 s3, s2  }
0x8d: {  	s2 =	sadd.s32 s2, s17  }
0x8e: {  	[smem:$0x3FC4] =	sst s2  }
0x8f: {  	_ = 	snop  }
0x90: {  	s2 =	sld [smem:$0x3FC7]  }
0x91: {  	s18 =	sld [smem:$0x3FD0];
	(tm) =	ssettm $0x1  }
0x92: {  	s4 =	sld [smem:$0x3FFB];
	_ =	sdelay $0x3  }
0x93: {  	_ =	strace s4  }
0x94: {  	s4 =	sld [smem:$0x3FFC];
	_ =	sdelay $0x3  }
0x95: {  	_ =	strace s4  }
0x96: {  	s4 =	sld [smem:$0x3FFD];
	_ =	sdelay $0x3  }
0x97: {  	_ =	strace s4  }
0x98: {  	_ =	strace $0x8FFFFFFF  }
0x99: {  	s19 =	sld [smem:$0x3FDB];
	_ =	sdelay $0x1  }
0x9a: {  	s5 =	simm.s32 $_scs_section_size  }
0x9b: {  	s6 =	simm.s32 $_size__tile_overlayer_lowered;
	s7 =	simm.s32 $_tile_overlayer_lowered  }
0x9c: {  	s22 =	simm.s32 $0x1BFF;
	s21 =	sshll.u32 s7, $0x1;
	s4 =	sadd.s32 s5, s19  }
0x9d: {  	s8 =	simm.s32 $0x0;
	s20 =	sshll.u32 s6, $0x1;
	s6 =	sadd.s32 s21, s4  }
0x9e: {  	[timem:s8], [sflag:s22] =	dma.local [hbm:s6], s20  }
0x9f: {  	_ =	swait.ge [sflag:s22], s20  }
0xa0: {  	s5 =	ssub.s32 $0x0, s20;
	[sflag:s22] =	ssyncset.done $0x0  }
0xa1: {  	[sflag:s22] =	ssyncadd.s32 s5;
	_ =	sdelay $0x1  }
0xa2: {  	s23 =	simm.s32 $0x1B8B  }
0xa3: {  	_ =	swait.ge [sflag:s23], $0x1  }
0xa4: {  	[sflag:s23] =	ssyncset.done $0x0  }
0xa5: {  	s25 =	simm.s32 $0x1B8E;
	s24 =	sld [smem:$0x3FFE];
	[sflag:s23] =	ssyncadd.s32 $0xFFFFFFFF  }
0xa6: {  	s26 =	simm.s32 $execute0_lowered;
	[smem:$0x3FD2] =	sst s25  }
0xa7: {  	s6 =	sshll.u32 s26, $0x1;
	_ =	strace $0x8000004C;
	[dreg:$0x1] =	wrdreg $0xFFFFFFFF  }
0xa8: {  	s28 =	simm.s32 $_size_execute0_lowered;
	s4 =	sadd.s32 s4, s6;
	[dreg:$0x0] =	wrdreg $0x0  }
0xa9: {  	s6 =	sshll.u32 s28, $0x1;
	[dreg:$0x2] =	wrdreg s4  }
0xaa: {  	[dreg:$0x3] =	wrdreg s6  }
0xab: {  	[dreg:$0x4] =	wrdreg $0xC0  }
0xac: {  	_ =	task [dreg:s8], $0x5FFFF  }
0xad: {  	[dreg:$0x1] =	wrdreg $0xFFFFFFFF  }
0xae: {  	[dreg:$0x0] =	wrdreg $0x60  }
0xaf: {  	[dreg:$0x2] =	wrdreg s24  }
0xb0: {  	[dreg:$0x3] =	wrdreg s2  }
0xb1: {  	[dreg:$0x4] =	wrdreg s18  }
0xb2: {  	[dreg:$0x5] =	wrdreg $0x9  }
0xb3: {  	_ =	task.clear_ibuf [dreg:s8], $0x6FFFF;
	_ =	strace $0x9000004C  }
0xb4: {  	s29 =	simm.s32 $0x9;
	_ =	strace $0x8000004E  }
0xb5: {  	_ =	swait.ge [sflag:s29], $0x1  }
0xb6: {  	[sflag:s29] =	ssyncadd.s32 $0xFFFFFFFF  }
0xb7: {  	_ =	strace $0x9000004E  }
0xb8: {  	_ =	sfence  }
0xb9: {  	s30 =	sld [smem:$0x0];
	_ =	sdelay $0x2  }
0xba: {  	s31 =	sshll.u32 s1, $0xD;
	s1 =	sshrl.u32 s1, $0x2  }
0xbb: {  	s3 =	sand.u32 $0x4000, s31;
	s1 =	sadd.s32 s1, s30  }
0xbc: {  	s0 =	sor.u32 s3, s0;
	s1 =	sshll.u32 s1, $0x11  }
0xbd: {  	s0 =	sor.u32 s1, s0  }
0xbe: {  	s0 =	sadd.s32 $0x8F2B, s0  }
0xbf: {  	[sflag:s0] =	ssyncadd.remote.s32 $0x1  }
0xc0: {  	_ =	sfence.sel $0xFFFF  }
0xc1: {  	[dreg:$0x0] =	wrdreg $0xFFFFFFFF;
	(pc) =	sbr.abs _section_cstart, $3  }
0xc2: {  	[dreg:$0x1] =	wrdreg $0xFFFFFFFF  }
0xc3: {  	_ =	task.clear_ibuf [dreg:s8], $0x2FFFF;
	_ =	strace $0x9FFFFFFF  }
0xc4: {  	(tm) =	ssettm $0x7FFFFFFF  }
0xc5: {  	_ =	shalt  }
tec
execute0_lowered:
.L_overlay_start_1:
0x0: {  	(tag) =	ssettag $0x1  }
0x1: {  	s5 =	rddreg [dreg:$0x0]  }
0x2: {  	s1 =	srdreg.scid;
	s3 =	rddreg [dreg:$0x1]  }
0x3: {  	s0 =	stileid.u32;
	s8 =	rddreg [dreg:$0x2];
	s6 =	sand.u32 $0x1, s1  }
0x4: {  	s2 =	simm.s32 $0x0;
	s7 =	sshll.u32 s0, $0x7;
	s4 =	sshll.u32 s6, $0xB  }
0x5: {  	[smem:$0x7FF] =	sst s2;
	s9 =	sor.u32 s7, s4  }
0x6: {  	s1 =	rddreg [dreg:$0x3];
	_ =	strace $0x8000004D;
	s4 =	sshrl.u32 s9, $0x3  }
0x7: {  	s10 =	ssub.s32 $0x2, s6;
	s4 =	sadd.s32 s3, s4;
	s3 =	simm.s32 $0x2  }
0x8: {  	[tilespmem:s2], [sflag:$0x2] =	stream.linear.gather [hbm4b:s4+s2], $0x80, $0x38;
	[tilespmem:$0x4080] =	vst v63  }
0x9: {  	s5 =	sadd.s32 $0x1A00, s5;
	s11 =	sshrl.u32 s10, $0x1;
	_ =	swait.ge [sflag:s3], $0x80  }
0xa: {  	s6 =	simm.s32 $0x80;
	s10 =	ssub.s32 s10, s11;
	[sflag:s3] =	ssyncset.done $0x0  }
0xb: {  	s7 =	simm.s32 $0x1;
	s31 =	smax.u32 s10, $0x1;
	[sflag:s3] =	ssyncadd.s32 $0xFFFFFF80  }
0xc: {  	[tilespmem:s6], [sflag:$0x1] =	stream.indirect.gather [hbm4b:s5+s6], $0x80, s2, s6, $0xb8;
	[tilespmem:$0x4080] =	vst v63  }
0xd: {  	p0 =	sne.s32 s31, $0x1;
	_ =	swait.ge [sflag:s7], $0x4000  }
.Ltmp0:
0xe: {  	s9 =	sshll.u32 s9, $0x4;
	[sflag:s7] =	ssyncset.done $0x0;
	(pc) =	sbr.rel @!p0 .LBB2_2-.Ltmp0, $4  }
0xf: {  	s8 =	sadd.s32 s8, s9;
	[sflag:s7] =	ssyncadd.s32 $0xFFFFC000  }
0x10: {  	[hbm4b:s8+s2] =	stream.linear.scatter [tilespmem:s6], [sflag:$0x2], $0x4000, $0x38;
	[tilespmem:$0x4080] =	vst v63  }
0x11: {  	_ =	swait.ge [sflag:s3], $0x4000  }
0x12: {  	s9 =	sadd.s32 $0xFFFFFFFF, s31;
	[sflag:s3] =	ssyncset.done $0x0  }
.LBB2_1:
0x13: {  	p0 =	sne.s32 s9, $0x1;
	s9 =	sadd.s32 $0xFFFFFFFF, s9;
	[sflag:s3] =	ssyncadd.s32 $0xFFFFC000  }
0x14: {  	[tilespmem:s2], [sflag:$0x2] =	stream.linear.gather [hbm4b:s4+s2], $0x80, $0x38;
	[tilespmem:$0x4080] =	vst v63  }
0x15: {  	_ =	swait.ge [sflag:s3], $0x80  }
0x16: {  	[sflag:s3] =	ssyncset.done $0x0  }
0x17: {  	[sflag:s3] =	ssyncadd.s32 $0xFFFFFF80  }
0x18: {  	[tilespmem:s6], [sflag:$0x1] =	stream.indirect.gather [hbm4b:s5+s6], $0x80, s2, s6, $0xb8;
	[tilespmem:$0x4080] =	vst v63  }
0x19: {  	_ =	swait.ge [sflag:s7], $0x4000  }
.Ltmp1:
0x1a: {  	[sflag:s7] =	ssyncset.done $0x0;
	(pc) =	sbr.rel @p0 .LBB2_1-.Ltmp1, $4  }
0x1b: {  	[sflag:s7] =	ssyncadd.s32 $0xFFFFC000  }
0x1c: {  	[hbm4b:s8+s2] =	stream.linear.scatter [tilespmem:s6], [sflag:$0x2], $0x4000, $0x38;
	[tilespmem:$0x4080] =	vst v63  }
0x1d: {  	_ =	swait.ge [sflag:s3], $0x4000  }
0x1e: {  	[sflag:s3] =	ssyncset.done $0x0  }
.LBB2_2:
0x1f: {  	[sflag:s3] =	ssyncadd.s32 $0xFFFFC000  }
0x20: {  	_ =	sfence.sel $0x180000  }
0x21: {  	[bflag:$0x0] =	sbarrier.arrive $0xFFFF  }
0x22: {  	p0 =	sne.s32 s0, $0x0;
	_ =	strace $0x9000004D  }
0x23: {  	s0 =	sadd.s32 @!p0 $0x100000, s1;
	[bflag:$0x2] =	sbarrier.arrive $0xFFFF  }
0x24: {  	[sflag:s0] =	ssyncadd.tile.s32 @!p0 $0x1;
	_ =	shalt  }
.Lfunc_end2:
_tile_overlayer_lowered:
.L_overlay_start_2:
0x25: {  	(tag) =	ssettag $0x2  }
0x26: {  	s0 =	rddreg [dreg:$0x0];
	s2 =	stileid.u32  }
0x27: {  	s1 =	rddreg [dreg:$0x1];
	p0 =	sne.s32 s2, $0x0  }
0x28: {  	s3 =	rddreg [dreg:$0x2];
	[bflag:$0x3] =	sbarrier.arrive $0xFFFF;
	s2 =	simm.s32 @!p0 $0x1C02  }
0x29: {  	[timem:s3], [sflag:s2] =	dma.local @!p0 [hbm:s0], s1  }
0x2a: {  	s0 =	simm.s32 @!p0 $0x2  }
0x2b: {  	_ =	swait.ge @!p0 [sflag:s0], s1  }
0x2c: {  	s1 =	ssub.s32 @!p0 $0x0, s1;
	[sflag:s0] =	ssyncset.done @!p0 $0x0  }
0x2d: {  	[sflag:s0] =	ssyncadd.s32 @!p0 s1  }
0x2e: {  	[bflag:$0x3] =	sbarrier.arrive $0xFFFF  }
0x2f: {  	_ =	shalt  }

// kernel: kernel.7.cloned.1.call-start
scs
__scs_entry_jumppad:
0x0: {  	(pc) =	sbr.rel $0x88, $3  }
0x1: {  	(tag) =	ssettag $0x0;
	lr =	simm.s32 $0x1  }
0x2: {  	[smem:$0x3F9D] =	sst lr;
	_ =	strace $0xD0000000  }
0x3: {  	_ = 	snop  }
0x4: {  	_ = 	snop  }
0x5: {  	_ = 	snop  }
0x6: {  	_ = 	snop  }
0x7: {  	_ = 	snop  }
__scs_overlays_trampoline_lowered:
0x8: {  	[smem:$0x3FAC] =	sst s0  }
0x9: {  	[smem:$0x3FAD] =	sst s1  }
0xa: {  	[smem:$0x3FAE] =	sst s2  }
0xb: {  	[smem:$0x3FAF] =	sst s3  }
0xc: {  	[smem:$0x3FB0] =	sst s4  }
0xd: {  	[smem:$0x3FB1] =	sst s5  }
0xe: {  	[smem:$0x3FB2] =	sst s6  }
0xf: {  	[smem:$0x3FB3] =	sst s7  }
0x10: {  	[smem:$0x3FB4] =	sst s8  }
0x11: {  	[smem:$0x3FB5] =	sst s9;
	s0 =	simm.s32 @!p0 $0x0  }
0x12: {  	s1 =	sld [smem:$0x3F9B];
	s0 =	simm.s32 @p0 $0x1  }
0x13: {  	[smem:$0x3FB6] =	sst s0;
	s0 =	simm.s32 @!p1 $0x0  }
0x14: {  	s2 =	sld [smem:$0x3F9A];
	s0 =	simm.s32 @p1 $0x1  }
0x15: {  	[smem:$0x3FB7] =	sst s0;
	s0 =	simm.s32 @!p2 $0x0  }
0x16: {  	s3 =	sld [smem:$0x3FDB];
	s0 =	simm.s32 @p2 $0x1  }
0x17: {  	s4 =	simm.s32 $0x1BF5;
	[smem:$0x3FB9] =	sst s0  }
0x18: {  	s0 =	sld [smem:$0x3F9C];
	_ =	swait.ge [sflag:s4], $0x0  }
0x19: {  	s7 =	sld [smem:$0x3F9D]  }
0x1a: {  	s8 =	sadd.s32 $0xFFFFE003, lr  }
0x1b: {  	s9 =	sadd.s32 $0xFFFFFEF7, lr;
	s5 =	simm.s32 $0xFFFFFFFF;
	p2 =	slt.u32 s8, $0xFFFFF086  }
0x1c: {  	p1 =	slt.u32 s9, $0xF7A;
	s5 =	simm.s32 @!p2 $0x0  }
0x1d: {  	s5 =	simm.s32 @p1 $0x1;
	p0 =	seq.s32 s7, s2  }
0x1e: {  	s7 =	smul.u32 @!p0 $0xF7A, s2;
	p2 =	seq.s32 @!p0 s5, $0x0  }
0x1f: {  	s9 =	smul.u32 $0xF7A, s1;
	s8 =	simm.s32 @!p0 $0x1BF5;
	p2 =	por !p2, p0  }
0x20: {  	[sflag:s8] =	ssyncset.s32 @!p0 $0xFFFFF086;
	s6 =	sadd.s32 @!p0 s3, s7;
	s7 =	simm.s32 @!p0 $0x108  }
0x21: {  	s3 =	sadd.s32 s3, s9;
	s6 =	sadd.s32 @!p0 $0x88, s6;
	s7 =	simm.s32 @p2 $0x1082  }
0x22: {  	[simem:s7], [sflag:s8] =	dma.local @!p0 [hbm:s6], $0xF7A  }
0x23: {  	s9 =	sor.u32 $0xD0000000, s2;
	s6 =	simm.s32 $0x108;
	_ =	swait.ge @!p0 [sflag:s8], $0x0  }
0x24: {  	s3 =	sadd.s32 $0x88, s3;
	s6 =	simm.s32 @!p1 $0x1082;
	[sflag:s4] =	ssyncset.s32 $0xFFFFF086  }
0x25: {  	[simem:s6], [sflag:s4] =	dma.local [hbm:s3], $0xF7A  }
0x26: {  	[smem:$0x3F9D] =	sst s1;
	(tag) =	ssettag s2;
	_ =	strace s9  }
0x27: {  	s1 =	sld [smem:$0x3FAD]  }
0x28: {  	s2 =	sld [smem:$0x3FAE]  }
0x29: {  	s4 =	sld [smem:$0x3FB0]  }
0x2a: {  	p0 =	seq.s32 s5, $0x0;
	s5 =	sld [smem:$0x3FB1]  }
0x2b: {  	s6 =	sld [smem:$0x3FB2]  }
0x2c: {  	s7 =	sld [smem:$0x3FB3]  }
0x2d: {  	s3 =	simm.s32 $0x108;
	s8 =	sld [smem:$0x3FB4]  }
0x2e: {  	s3 =	simm.s32 @!p0 $0x1082;
	s9 =	sld [smem:$0x3FB5]  }
0x2f: {  	lr =	sadd.s32 s0, s3;
	s0 =	sld [smem:$0x3FAC]  }
0x30: {  	s3 =	sld [smem:$0x3FAF]  }
0x31: {  	[smem:$0x3FB8] =	sst s10  }
0x32: {  	s10 =	sld [smem:$0x3FB6];
	_ =	sdelay $0x3  }
0x33: {  	p0 =	seq.s32 s10, $0x1;
	s10 =	sld [smem:$0x3FB8];
	_ =	sdelay $0x3  }
0x34: {  	[smem:$0x3FB8] =	sst s10  }
0x35: {  	s10 =	sld [smem:$0x3FB7];
	_ =	sdelay $0x3  }
0x36: {  	p1 =	seq.s32 s10, $0x1;
	s10 =	sld [smem:$0x3FB8];
	_ =	sdelay $0x3  }
0x37: {  	[smem:$0x3FB8] =	sst s10  }
0x38: {  	s10 =	sld [smem:$0x3FB9]  }
0x39: {  	_ = 	snop;
	(pc) =	sbr.ind lr, $3  }
0x3a: {  	_ = 	snop  }
0x3b: {  	_ = 	snop  }
0x3c: {  	p2 =	seq.s32 s10, $0x1;
	s10 =	sld [smem:$0x3FB8]  }
0x3d: {  	_ =	shalt  }
0x3e: {  	_ =	shalt  }
0x3f: {  	_ =	shalt  }
0x40: {  	_ =	shalt  }
0x41: {  	_ =	shalt  }
0x42: {  	_ =	shalt  }
0x43: {  	_ =	shalt  }
0x44: {  	_ =	shalt  }
0x45: {  	_ =	shalt  }
0x46: {  	_ =	shalt  }
0x47: {  	_ =	shalt  }
0x48: {  	_ =	shalt  }
0x49: {  	_ =	shalt  }
0x4a: {  	_ =	shalt  }
0x4b: {  	_ =	shalt  }
0x4c: {  	_ =	shalt  }
0x4d: {  	_ =	shalt  }
0x4e: {  	_ =	shalt  }
0x4f: {  	_ =	shalt  }
0x50: {  	_ =	shalt  }
0x51: {  	_ =	shalt  }
0x52: {  	_ =	shalt  }
0x53: {  	_ =	shalt  }
0x54: {  	_ =	shalt  }
0x55: {  	_ =	shalt  }
0x56: {  	_ =	shalt  }
0x57: {  	_ =	shalt  }
0x58: {  	_ =	shalt  }
0x59: {  	_ =	shalt  }
0x5a: {  	_ =	shalt  }
0x5b: {  	_ =	shalt  }
0x5c: {  	_ =	shalt  }
0x5d: {  	_ =	shalt  }
0x5e: {  	_ =	shalt  }
0x5f: {  	_ =	shalt  }
0x60: {  	_ =	shalt  }
0x61: {  	_ =	shalt  }
0x62: {  	_ =	shalt  }
0x63: {  	_ =	shalt  }
0x64: {  	_ =	shalt  }
0x65: {  	_ =	shalt  }
0x66: {  	_ =	shalt  }
0x67: {  	_ =	shalt  }
0x68: {  	_ =	shalt  }
0x69: {  	_ =	shalt  }
0x6a: {  	_ =	shalt  }
0x6b: {  	_ =	shalt  }
0x6c: {  	_ =	shalt  }
0x6d: {  	_ =	shalt  }
0x6e: {  	_ =	shalt  }
0x6f: {  	_ =	shalt  }
0x70: {  	_ =	shalt  }
0x71: {  	_ =	shalt  }
0x72: {  	_ =	shalt  }
0x73: {  	_ =	shalt  }
0x74: {  	_ =	shalt  }
0x75: {  	_ =	shalt  }
0x76: {  	_ =	shalt  }
0x77: {  	_ =	shalt  }
0x78: {  	_ =	shalt  }
0x79: {  	_ =	shalt  }
0x7a: {  	_ =	shalt  }
0x7b: {  	_ =	shalt  }
0x7c: {  	_ =	shalt  }
0x7d: {  	_ =	shalt  }
0x7e: {  	_ =	shalt  }
0x7f: {  	_ =	shalt  }
0x80: {  	_ =	shalt  }
0x81: {  	_ =	shalt  }
0x82: {  	_ =	shalt  }
0x83: {  	_ =	shalt  }
0x84: {  	_ =	shalt  }
0x85: {  	_ =	shalt  }
0x86: {  	_ =	shalt  }
0x87: {  	_ =	shalt  }
.Lfunc_end0:
.L_simem_size_0:
called_computation_lowered:
.L_overlay_start_0:
0x88: {  	s2 =	sld [smem:$0x3FD9]  }
0x89: {  	s3 =	sld [smem:$0x3FFE];
	_ =	sdelay $0x1  }
0x8a: {  	s1 =	srdreg.scid  }
0x8b: {  	s0 =	sand.u32 $0x1, s1  }
0x8c: {  	s17 =	sshll.u32 s0, $0xA;
	s2 =	sadd.s32 s3, s2  }
0x8d: {  	s2 =	sadd.s32 s2, s17  }
0x8e: {  	[smem:$0x3FC4] =	sst s2  }
0x8f: {  	_ = 	snop  }
0x90: {  	s2 =	sld [smem:$0x3FD0];
	(tm) =	ssettm $0x1  }
0x91: {  	s18 =	sld [smem:$0x3FFB];
	_ =	sdelay $0x3  }
0x92: {  	_ =	strace s18  }
0x93: {  	s3 =	sld [smem:$0x3FFC];
	_ =	sdelay $0x3  }
0x94: {  	_ =	strace s3  }
0x95: {  	s3 =	sld [smem:$0x3FFD];
	_ =	sdelay $0x3  }
0x96: {  	_ =	strace s3  }
0x97: {  	_ =	strace $0x8FFFFFFF  }
0x98: {  	s19 =	sld [smem:$0x3FDB];
	_ =	sdelay $0x1  }
0x99: {  	s4 =	simm.s32 $_scs_section_size  }
0x9a: {  	s5 =	simm.s32 $_size__tile_overlayer_lowered;
	s6 =	simm.s32 $_tile_overlayer_lowered  }
0x9b: {  	s22 =	simm.s32 $0x1BFF;
	s21 =	sshll.u32 s6, $0x1;
	s3 =	sadd.s32 s4, s19  }
0x9c: {  	s7 =	simm.s32 $0x0;
	s20 =	sshll.u32 s5, $0x1;
	s5 =	sadd.s32 s21, s3  }
0x9d: {  	[timem:s7], [sflag:s22] =	dma.local [hbm:s5], s20  }
0x9e: {  	_ =	swait.ge [sflag:s22], s20  }
0x9f: {  	s4 =	ssub.s32 $0x0, s20;
	[sflag:s22] =	ssyncset.done $0x0  }
0xa0: {  	[sflag:s22] =	ssyncadd.s32 s4;
	_ =	sdelay $0x1  }
0xa1: {  	s23 =	simm.s32 $0x1B8B  }
0xa2: {  	_ =	swait.ge [sflag:s23], $0x1  }
0xa3: {  	[sflag:s23] =	ssyncset.done $0x0  }
0xa4: {  	s25 =	simm.s32 $0x1B8E;
	s24 =	sld [smem:$0x3FFE];
	[sflag:s23] =	ssyncadd.s32 $0xFFFFFFFF  }
0xa5: {  	s26 =	simm.s32 $execute0_lowered;
	[smem:$0x3FD2] =	sst s25  }
0xa6: {  	s5 =	sshll.u32 s26, $0x1;
	_ =	strace $0x80000046;
	[dreg:$0x1] =	wrdreg $0xFFFFFFFF  }
0xa7: {  	s28 =	simm.s32 $_size_execute0_lowered;
	s3 =	sadd.s32 s3, s5;
	[dreg:$0x0] =	wrdreg $0x0  }
0xa8: {  	s5 =	sshll.u32 s28, $0x1;
	[dreg:$0x2] =	wrdreg s3  }
0xa9: {  	[dreg:$0x3] =	wrdreg s5  }
0xaa: {  	[dreg:$0x4] =	wrdreg $0xC0  }
0xab: {  	_ =	task [dreg:s7], $0x5FFFF  }
0xac: {  	[dreg:$0x1] =	wrdreg $0xFFFFFFFF  }
0xad: {  	[dreg:$0x0] =	wrdreg $0x60  }
0xae: {  	[dreg:$0x2] =	wrdreg s2  }
0xaf: {  	[dreg:$0x3] =	wrdreg s24  }
0xb0: {  	[dreg:$0x4] =	wrdreg $0x30000  }
0xb1: {  	[dreg:$0x5] =	wrdreg $0x9  }
0xb2: {  	_ =	task.clear_ibuf [dreg:s7], $0x6FFFF;
	_ =	strace $0x90000046  }
0xb3: {  	s29 =	simm.s32 $0x9;
	_ =	strace $0x80000048  }
0xb4: {  	_ =	swait.ge [sflag:s29], $0x1  }
0xb5: {  	[sflag:s29] =	ssyncadd.s32 $0xFFFFFFFF  }
0xb6: {  	_ =	strace $0x90000048  }
0xb7: {  	_ =	sfence  }
0xb8: {  	s30 =	sld [smem:$0x0];
	_ =	sdelay $0x2  }
0xb9: {  	s31 =	sshll.u32 s1, $0xD;
	s1 =	sshrl.u32 s1, $0x2  }
0xba: {  	s3 =	sand.u32 $0x4000, s31;
	s1 =	sadd.s32 s1, s30  }
0xbb: {  	s0 =	sor.u32 s3, s0;
	s1 =	sshll.u32 s1, $0x11  }
0xbc: {  	s0 =	sor.u32 s1, s0  }
0xbd: {  	s0 =	sadd.s32 $0x8F2B, s0  }
0xbe: {  	[sflag:s0] =	ssyncadd.remote.s32 $0x1  }
0xbf: {  	_ =	sfence.sel $0xFFFF  }
0xc0: {  	[dreg:$0x0] =	wrdreg $0xFFFFFFFF;
	(pc) =	sbr.abs _section_cstart, $3  }
0xc1: {  	[dreg:$0x1] =	wrdreg $0xFFFFFFFF  }
0xc2: {  	_ =	task.clear_ibuf [dreg:s7], $0x2FFFF;
	_ =	strace $0x9FFFFFFF  }
0xc3: {  	(tm) =	ssettm $0x7FFFFFFF  }
tec
execute0_lowered:
.L_overlay_start_1:
0x0: {  	(tag) =	ssettag $0x1  }
0x1: {  	s7 =	rddreg [dreg:$0x0]  }
0x2: {  	s5 =	rddreg [dreg:$0x1]  }
0x3: {  	s2 =	rddreg [dreg:$0x2]  }
0x4: {  	s0 =	rddreg [dreg:$0x3]  }
0x5: {  	s1 =	stileid.u32;
	s4 =	srdreg.scid;
	s3 =	simm.s32 $0x0  }
0x6: {  	s14 =	simm.s32 $0x100;
	s15 =	simm.s32 $0x180;
	s16 =	simm.s32 $0x200  }
0x7: {  	s17 =	simm.s32 $0x280;
	s18 =	simm.s32 $0x300;
	s19 =	simm.s32 $0x380  }
0x8: {  	s20 =	simm.s32 $0x1;
	s21 =	simm.s32 $0x0;
	s6 =	smul.u32 $0x2800, s1  }
0x9: {  	s8 =	sand.u32 $0x1, s4;
	[smem:$0x7FF] =	sst s3;
	s4 =	sadd.s32 $0x10A00, s5  }
0xa: {  	s12 =	sshll.u32 s1, $0x6;
	s9 =	smul.u32 $0x28000, s8;
	_ =	strace $0x80000047  }
0xb: {  	s11 =	ssub.s32 $0x2, s8;
	s8 =	sshll.u32 s8, $0x4;
	s30 =	sshrl.u32 s6, $0x3  }
0xc: {  	s31 =	sshrl.u32 s11, $0x1;
	s8 =	sor.u32 s1, s8;
	s13 =	sadd.s32 s6, s2  }
0xd: {  	s10 =	sadd.s32 s30, s5;
	s9 =	sadd.s32 s6, s9;
	s11 =	ssub.s32 s11, s31  }
0xe: {  	s8 =	smul.u32 $0x500, s8;
	s6 =	sor.u32 $0x1C02, s12;
	s9 =	sshrl.u32 s9, $0x3  }
0xf: {  	s12 =	simm.s32 $0x2800;
	s9 =	sadd.s32 s9, s5;
	s5 =	sadd.s32 $0xBA00, s10  }
0x10: {  	s7 =	sadd.s32 s7, s8;
	s10 =	sshrl.u32 s13, $0x3;
	s13 =	simm.s32 $0x80  }
0x11: {  	s8 =	sadd.s32 $0x10C00, s9;
	s9 =	smax.u32 s11, $0x1;
	s11 =	simm.s32 $0x2  }
.LBB2_1:
0x12: {  	[spmem:s10], [sflag:s6] =	dma.local [hbm:s5], $0x500  }
0x13: {  	_ =	swait.ge [sflag:s11], $0x500  }
0x14: {  	[sflag:s11] =	ssyncset.done $0x0  }
0x15: {  	[sflag:s11] =	ssyncadd.s32 $0xFFFFFB00  }
0x16: {  	[tilespmem:s3], [sflag:$0x2] =	stream.linear.gather [hbm4b:s7+s3], $0x2800, $0x38;
	[tilespmem:$0x5800] =	vst v63  }
0x17: {  	_ =	swait.ge [sflag:s11], $0x2800  }
0x18: {  	[sflag:s11] =	ssyncset.done $0x0  }
0x19: {  	[sflag:s11] =	ssyncadd.s32 $0xFFFFD800  }
0x1a: {  	[tilespmem:s12], [sflag:$0x2] =	stream.linear.gather [hbm4b:s4+s3], $0x800, $0x38;
	[tilespmem:$0x5800] =	vst v63  }
0x1b: {  	_ =	swait.ge [sflag:s11], $0x800  }
0x1c: {  	[sflag:s11] =	ssyncset.done $0x0  }
0x1d: {  	[sflag:s11] =	ssyncadd.s32 $0xFFFFF800  }
0x1e: {  	[bflag:$0x0] =	sbarrier.arrive $0xFFFF  }
0x1f: {  	[spmem:s2] =	stream.indirect.scatter.add.f32 [tilespmem:s12], [sflag:$0x1], $0x10, s3, s13, $0xb8;
	[tilespmem:$0x5800] =	vst v63  }
0x20: {  	_ = 	snop  }
0x21: {  	[spmem:s2] =	stream.indirect.scatter.add.f32 [tilespmem:s12], [sflag:$0x1], $0x10, s13, s13, $0xb8;
	[tilespmem:$0x5800] =	vst v63  }
0x22: {  	_ = 	snop  }
0x23: {  	[spmem:s2] =	stream.indirect.scatter.add.f32 [tilespmem:s12], [sflag:$0x1], $0x10, s14, s13, $0xb8;
	[tilespmem:$0x5800] =	vst v63  }
0x24: {  	_ = 	snop  }
0x25: {  	[spmem:s2] =	stream.indirect.scatter.add.f32 [tilespmem:s12], [sflag:$0x1], $0x10, s15, s13, $0xb8;
	[tilespmem:$0x5800] =	vst v63  }
0x26: {  	_ = 	snop  }
0x27: {  	[spmem:s2] =	stream.indirect.scatter.add.f32 [tilespmem:s12], [sflag:$0x1], $0x10, s16, s13, $0xb8;
	[tilespmem:$0x5800] =	vst v63  }
0x28: {  	_ = 	snop  }
0x29: {  	[spmem:s2] =	stream.indirect.scatter.add.f32 [tilespmem:s12], [sflag:$0x1], $0x10, s17, s13, $0xb8;
	[tilespmem:$0x5800] =	vst v63  }
0x2a: {  	_ = 	snop  }
0x2b: {  	[spmem:s2] =	stream.indirect.scatter.add.f32 [tilespmem:s12], [sflag:$0x1], $0x10, s18, s13, $0xb8;
	[tilespmem:$0x5800] =	vst v63  }
0x2c: {  	_ = 	snop  }
0x2d: {  	[spmem:s2] =	stream.indirect.scatter.add.f32 [tilespmem:s12], [sflag:$0x1], $0x10, s19, s13, $0xb8;
	[tilespmem:$0x5800] =	vst v63  }
0x2e: {  	_ =	swait.ge [sflag:s20], $0x800  }
0x2f: {  	[sflag:s20] =	ssyncset.done $0x0  }
0x30: {  	s22 =	simm.s32 $0x1200;
	s23 =	simm.s32 $0x400;
	[sflag:s20] =	ssyncadd.s32 $0xFFFFF800  }
.LBB2_2:
0x31: {  	[spmem:s2] =	stream.indirect.scatter.add.f32 [tilespmem:s12], [sflag:$0x1], $0x10, s23, s13, $0xb8;
	[tilespmem:$0x5800] =	vst v63  }
0x32: {  	s23 =	smov.u32 s22;
	p0 =	sne.s32 s22, $0x9E00  }
.Ltmp0:
0x33: {  	s22 =	sadd.s32 $0x200, s22;
	(pc) =	sbr.rel @p0 .LBB2_2-.Ltmp0, $4  }
0x34: {  	_ = 	snop  }
0x35: {  	_ =	swait.ge [sflag:s20], $0x800  }
0x36: {  	[sflag:s20] =	ssyncset.done $0x0  }
0x37: {  	s23 =	sshra.s32 s23, $0x2;
	[sflag:s20] =	ssyncadd.s32 $0xFFFFF800  }
0x38: {  	[spmem:s2] =	stream.indirect.scatter.add.f32 [tilespmem:s12], [sflag:$0x1], $0x10, s23, s13, $0xb8;
	[tilespmem:$0x5800] =	vst v63  }
0x39: {  	_ =	swait.ge [sflag:s20], $0x800  }
0x3a: {  	[sflag:s20] =	ssyncset.done $0x0  }
0x3b: {  	[sflag:s20] =	ssyncadd.s32 $0xFFFFF800  }
0x3c: {  	_ =	swait.ge [sflag:s20], $0x800  }
0x3d: {  	[sflag:s20] =	ssyncset.done $0x0  }
0x3e: {  	[sflag:s20] =	ssyncadd.s32 $0xFFFFF800  }
0x3f: {  	_ =	swait.ge [sflag:s20], $0x800  }
0x40: {  	[sflag:s20] =	ssyncset.done $0x0  }
0x41: {  	[sflag:s20] =	ssyncadd.s32 $0xFFFFF800  }
0x42: {  	_ =	swait.ge [sflag:s20], $0x800  }
0x43: {  	[sflag:s20] =	ssyncset.done $0x0  }
0x44: {  	[sflag:s20] =	ssyncadd.s32 $0xFFFFF800  }
0x45: {  	_ =	swait.ge [sflag:s20], $0x800  }
0x46: {  	[sflag:s20] =	ssyncset.done $0x0  }
0x47: {  	[sflag:s20] =	ssyncadd.s32 $0xFFFFF800  }
0x48: {  	_ =	swait.ge [sflag:s20], $0x800  }
0x49: {  	[sflag:s20] =	ssyncset.done $0x0  }
0x4a: {  	[sflag:s20] =	ssyncadd.s32 $0xFFFFF800  }
0x4b: {  	_ =	swait.ge [sflag:s20], $0x800  }
0x4c: {  	[sflag:s20] =	ssyncset.done $0x0  }
0x4d: {  	[sflag:s20] =	ssyncadd.s32 $0xFFFFF800  }
0x4e: {  	_ =	swait.ge [sflag:s20], $0x800  }
0x4f: {  	s21 =	sadd.s32 $0x1, s21;
	[sflag:s20] =	ssyncset.done $0x0  }
0x50: {  	p0 =	sne.s32 s21, s9;
	[sflag:s20] =	ssyncadd.s32 $0xFFFFF800  }
.Ltmp1:
0x51: {  	[bflag:$0x0] =	sbarrier.arrive $0xFFFF;
	(pc) =	sbr.rel @p0 .LBB2_1-.Ltmp1, $4  }
0x52: {  	[hbm:s8], [sflag:s6] =	dma.local [spmem:s10], $0x500  }
0x53: {  	_ =	swait.ge [sflag:s11], $0x500  }
0x54: {  	[sflag:s11] =	ssyncset.done $0x0  }
0x55: {  	[sflag:s11] =	ssyncadd.s32 $0xFFFFFB00  }
0x56: {  	_ =	sfence.sel $0x180000  }
0x57: {  	[bflag:$0x0] =	sbarrier.arrive $0xFFFF  }
0x58: {  	p0 =	sne.s32 s1, $0x0;
	_ =	strace $0x90000047  }
0x59: {  	s0 =	sadd.s32 @!p0 $0x100000, s0;
	[bflag:$0x2] =	sbarrier.arrive $0xFFFF  }
0x5a: {  	[sflag:s0] =	ssyncadd.tile.s32 @!p0 $0x1;
	_ =	shalt  }
.Lfunc_end2:
_tile_overlayer_lowered:
.L_overlay_start_2:
0x5b: {  	(tag) =	ssettag $0x2  }
0x5c: {  	s0 =	rddreg [dreg:$0x0];
	s2 =	stileid.u32  }
0x5d: {  	s1 =	rddreg [dreg:$0x1];
	p0 =	sne.s32 s2, $0x0  }
0x5e: {  	s3 =	rddreg [dreg:$0x2];
	[bflag:$0x3] =	sbarrier.arrive $0xFFFF;
	s2 =	simm.s32 @!p0 $0x1C02  }
0x5f: {  	[timem:s3], [sflag:s2] =	dma.local @!p0 [hbm:s0], s1  }
0x60: {  	s0 =	simm.s32 @!p0 $0x2  }
0x61: {  	_ =	swait.ge @!p0 [sflag:s0], s1  }
0x62: {  	s1 =	ssub.s32 @!p0 $0x0, s1;
	[sflag:s0] =	ssyncset.done @!p0 $0x0  }
0x63: {  	[sflag:s0] =	ssyncadd.s32 @!p0 s1  }
0x64: {  	[bflag:$0x3] =	sbarrier.arrive $0xFFFF  }
0x65: {  	_ =	shalt  }

</sc_bundles>
